<compile_context>
chip_gen: v7x
topology: tpu7x:2x2x1
jax: 0.10.2.dev20260603
libtpu: 0.0.44.dev20260713+nightly
codegen_flags: <defaults>
</compile_context>

<pallas_src>
import functools

import jax
import jax.numpy as jnp
import numpy as np
from jax import lax
from jax.experimental import pallas as pl
from jax.experimental.pallas import tpu as pltpu
from jax.experimental.pallas import tpu_sc as plsc

N = 10000
K = 16
NUM_ATOMS = 4
NPTS = 2 * NUM_ATOMS
NPAIR = NPTS * NPTS
FDIM = 2 * NPAIR
DIST_EPS = 0.01

NUM_CORES = 2
NUM_SUBCORES = 16
NW = NUM_CORES * NUM_SUBCORES
CHUNK = 128
HALVES = 2
HCHUNKS = N * K // CHUNK // HALVES
CHUNKS_PER_W = (HCHUNKS + NW - 1) // NW
LAST_CHUNKS = HCHUNKS - (NW - 1) * CHUNKS_PER_W
ROWS_PER_W = CHUNKS_PER_W * CHUNK

NB = 200
EB = NB * K
GRID = N // NB


def _pair_matrices():
    wt = np.zeros((16, 3 * NPAIR), np.float32)
    wb = np.zeros((16, 3 * NPAIR), np.float32)
    for p in range(NPTS):
        for q in range(NPTS):
            for c in range(3):
                col = c * NPAIR + p * NPTS + q
                if p < 4:
                    wt[p * 3 + c, col] += 1.0
                else:
                    wb[(p - 4) * 3 + c, col] += 1.0
                if q < 4:
                    wt[q * 3 + c, col] -= 1.0
                else:
                    wb[(q - 4) * 3 + c, col] -= 1.0
    s = np.zeros((3 * NPAIR, FDIM), np.float32)
    for c in range(3):
        for l in range(NPAIR):
            s[c * NPAIR + l, l] = 1.0
            s[c * NPAIR + l, NPAIR + l] = 1.0
    wext = np.zeros((144, 256), np.float32)
    for j in range(8):
        wext[16 * j:16 * j + 16, :192] = wb
        wext[16 * j + 12, 192] = 1.0
    wext[128:144, :192] = wt
    wext[128 + 12, 193] = 1.0
    return wext, s


_WEXT, _S = _pair_matrices()
_SEL = np.zeros((8, 128), np.float32)
for _j in range(8):
    _SEL[_j, 16 * _j:16 * _j + 16] = 1.0


def _sc_gather(table: jax.Array, idx3: jax.Array, half: int) -> jax.Array:
    mesh = plsc.VectorSubcoreMesh(core_axis_name="c", subcore_axis_name="s")
    base = half * HCHUNKS

    @functools.partial(
        pl.kernel,
        out_type=jax.ShapeDtypeStruct((N * K // HALVES, 16), jnp.float32),
        mesh=mesh,
        scratch_types=[
            pltpu.VMEM((CHUNKS_PER_W, 8, CHUNK), jnp.int32),
            pltpu.VMEM((CHUNKS_PER_W, CHUNK), jnp.int32),
            pltpu.VMEM((ROWS_PER_W, 16), jnp.float32),
            pltpu.SemaphoreType.DMA,
        ],
        compiler_params=pltpu.CompilerParams(use_tc_tiling_on_sc=False),
    )
    def gather_kernel(table_hbm, idx_hbm, out_hbm, idx3_v, idx_v, rows_v, sem):
        wid = lax.axis_index("s") * NUM_CORES + lax.axis_index("c")

        def run(n_chunks):
            pltpu.sync_copy(
                idx_hbm.at[pl.ds(base + wid * CHUNKS_PER_W, n_chunks)],
                idx3_v.at[pl.ds(0, n_chunks)])

            @pl.loop(0, n_chunks)
            def _compact(j):
                for r in range(8):
                    idx_v[j, pl.ds(r * 16, 16)] = idx3_v[j, r, pl.ds(0, 16)] * 8

            @pl.loop(0, n_chunks)
            def _fire(j):
                pltpu.async_copy(
                    table_hbm.at[idx_v.at[j]],
                    rows_v.at[pl.ds(j * CHUNK, CHUNK)],
                    sem,
                )

            @pl.loop(0, n_chunks)
            def _drain(j):
                pltpu.make_async_copy(
                    table_hbm.at[idx_v.at[j]],
                    rows_v.at[pl.ds(j * CHUNK, CHUNK)],
                    sem,
                ).wait()

            pltpu.sync_copy(
                rows_v.at[pl.ds(0, n_chunks * CHUNK)],
                out_hbm.at[pl.ds(wid * ROWS_PER_W, n_chunks * CHUNK)])

        @pl.when(wid < NW - 1)
        def _full():
            run(CHUNKS_PER_W)

        @pl.when(wid == NW - 1)
        def _last():
            run(LAST_CHUNKS)

    return gather_kernel(table, idx3)


def _featurize_body(t_ref, g_ref, sel_ref, we_ref, s_ref, o_ref):
    t = t_ref[:, :16]
    g2 = g_ref[...]
    g_b = jnp.broadcast_to(g2[:, None, :], (EB // 8, 8, 128)).reshape(EB, 128)
    sel = jnp.broadcast_to(sel_ref[...][None, :, :], (EB // 8, 8, 128)).reshape(
        EB, 128)
    t_b = jnp.broadcast_to(t[:, None, :], (NB, K, 16)).reshape(EB, 16)
    u = jnp.concatenate([g_b * sel, t_b], axis=1)
    te = jax.lax.dot(u, we_ref[...])
    tt = te[:, :192]
    d2w = jax.lax.dot(tt * tt, s_ref[...])
    d = jnp.sqrt(d2w + 1e-6) + DIST_EPS
    m = te[:, 192:193] * te[:, 193:194]
    lanes = jax.lax.broadcasted_iota(jnp.int32, (EB, FDIM), 1)
    feat = jnp.where(lanes < NPAIR, jnp.log(d), 1.0 / d)
    o_ref[...] = feat * m


def _featurize_body_alias(t_ref, g_ref, sel_ref, we_ref, s_ref, prev_ref,
                          o_ref):
    del prev_ref
    _featurize_body(t_ref, g_ref, sel_ref, we_ref, s_ref, o_ref)


def _tc_featurize(table: jax.Array, gath: jax.Array, half: int,
                  prev) -> jax.Array:
    hgrid = GRID // HALVES
    off = half * hgrid
    in_specs = [
        pl.BlockSpec((NB, 128), lambda i: (i + off, 0)),
        pl.BlockSpec((EB // 8, 128), lambda i: (i, 0)),
        pl.BlockSpec((8, 128), lambda i: (0, 0)),
        pl.BlockSpec((144, 256), lambda i: (0, 0)),
        pl.BlockSpec((3 * NPAIR, FDIM), lambda i: (0, 0)),
    ]
    args = [table, gath, jnp.asarray(_SEL), jnp.asarray(_WEXT), jnp.asarray(_S)]
    body = _featurize_body
    aliases = {}
    if prev is not None:
        in_specs.append(pl.BlockSpec(memory_space=pl.ANY))
        args.append(prev)
        body = _featurize_body_alias
        aliases = {5: 0}
    return pl.pallas_call(
        body,
        grid=(hgrid,),
        in_specs=in_specs,
        out_specs=pl.BlockSpec((EB, FDIM), lambda i: (i + off, 0)),
        out_shape=jax.ShapeDtypeStruct((N * K, FDIM), jnp.float32),
        input_output_aliases=aliases,
        compiler_params=pltpu.CompilerParams(
            dimension_semantics=("arbitrary",),
        ),
    )(*args)


def kernel(X, edge_idx, C):
    b, n, k = edge_idx.shape
    xf = X.reshape(n, NUM_ATOMS * 3)
    mask = (C.reshape(n) > 0).astype(jnp.float32)
    table = jnp.concatenate(
        [xf, mask[:, None], jnp.zeros((n, 3), jnp.float32)], axis=1)
    table_pad = jnp.pad(table, ((0, 0), (0, 112)))
    idx3 = jnp.pad(edge_idx.astype(jnp.int32),
                   ((0, 0), (0, 0), (0, 112))).reshape(n * k // CHUNK, 8, CHUNK)
    tablev = table_pad.reshape(8 * n, 16)
    feat = None
    for h in range(HALVES):
        gath = _sc_gather(tablev, idx3, h)
        feat = _tc_featurize(table_pad, gath.reshape(n * k // HALVES // 8, 128),
                             h, feat)
    return feat.reshape(b, n, k, FDIM)

# --- scband reference (transcript-rebuilt; emitter-appended) ---
"""Pipeline reference for scband-edge-distance2grid-23759759081731 (READ-ONLY COPY).

The authoritative reference and input builder live on the scoring server;
editing this copy changes nothing except your own understanding.
"""

import jax, jax.numpy as jnp
import numpy as np

B, N, K, A = 1, 10000, 16, 4
DIST_EPS = 0.01


def collect_neighbors(x, edge_idx):
    # x: (b, n, d); edge_idx: (b, n, k) -> (b, n, k, d)
    b, n, k = edge_idx.shape
    d = x.shape[-1]
    idx = edge_idx.reshape(b, n * k)
    out = jnp.take_along_axis(x, idx[..., None], axis=1)
    return out.reshape(b, n, k, d)


def setup_inputs(seed: int = 0) -> dict:
    key = jax.random.key(seed)
    k1, k2, k3 = jax.random.split(key, 3)
    X = jax.random.normal(k1, (B, N, A, 3), dtype=jnp.float32) * 10.0
    edge_idx = jax.random.randint(k2, (B, N, K), 0, N, dtype=jnp.int64 if jax.config.jax_enable_x64 else jnp.int32).astype(jnp.int32)
    C = jax.random.randint(k3, (B, N), 0, 2, dtype=jnp.int32)
    return {"X": X, "edge_idx": edge_idx, "C": C}


def reference(X, edge_idx, C):
    b, n, k = edge_idx.shape
    a = X.shape[2]
    # Edge2grids: concat self coords with gathered neighbor coords
    X_flat = X.reshape(b, n, a * 3)
    X_i = jnp.broadcast_to(X_flat[:, :, None, :], (b, n, k, a * 3))
    X_j = collect_neighbors(X_flat, edge_idx)
    X_ij = jnp.concatenate([X_i, X_j], axis=-1).reshape(b, n, k, 2 * a, 3)
    # GridDistances over dim=-2: pairwise Euclidean distances among the 2a points
    dX = X_ij[..., :, None, :] - X_ij[..., None, :, :]
    D = jnp.sqrt(jnp.sum(dX ** 2, axis=-1) + 1e-6)
    D_flat = D.reshape(b, n, k, (2 * a) ** 2)
    # featurize: features = 'log+inverse'
    h_log = jnp.log(D_flat + DIST_EPS)
    h_inv = 1.0 / (D_flat + DIST_EPS)
    feat = jnp.concatenate([h_log, h_inv], axis=-1)
    # mask from field map C
    mask_i = (C > 0).astype(jnp.float32)[..., None]      # (b, n, 1)
    mask_j = collect_neighbors(mask_i, edge_idx)          # (b, n, k, 1)
    mask_ij = mask_i[:, :, None, :] * mask_j              # (b, n, k, 1)
    edge_h = mask_ij * feat                               # (b, n, k, 2*(2a)^2)
    return edge_h

if __name__ == "__main__":
    import jax
    _d = setup_inputs()
    print(jax.jit(kernel)(*tuple(_d.values())))

</pallas_src>

<mosaic_0001>
#map = affine_map<(d0, d1) -> (0, 0)>
#map1 = affine_map<(d0, d1) -> (0, 0, 0)>
module attributes {stable_mosaic.version = 14 : i64} {
  func.func @gather_kernel(%arg0: i32, %arg1: i32, %arg2: memref<80000x16xf32, #tpu.memory_space<hbm>>, %arg3: memref<1250x8x128xi32, #tpu.memory_space<hbm>>, %arg4: memref<80000x16xf32, #tpu.memory_space<hbm>>, %arg5: memref<20x8x128xi32, #tpu.memory_space<vmem>>, %arg6: memref<20x128xi32, #tpu.memory_space<vmem>>, %arg7: memref<2560x16xf32, #tpu.memory_space<vmem>>, %arg8: memref<!tpu.dma_semaphore, #tpu.memory_space<semaphore_mem>>) attributes {dimension_semantics = [#tpu.dimension_semantics<core_parallel>, #tpu.dimension_semantics<subcore_parallel>], iteration_bounds = array<i64: 2, 16>, scalar_prefetch = 0 : i64, scratch_operands = 4 : i64, tpu.core_type = #tpu.core_type<sc_vector_subcore>, window_params = [{transform_indices = #map}, {transform_indices = #map1}, {transform_indices = #map}]} {
    %mul3A = arith.constant 2 : i32
    %mul3A_0 = arith.muli %arg1, %mul3A : i32
    %add3A = arith.addi %mul3A_0, %arg0 : i32
    %lt3A = arith.constant 31 : i32
    %lt3A_1 = arith.cmpi slt, %add3A, %lt3A : i32
    %convert_element_type3A = arith.extui %lt3A_1 : i1 to i32
    %cond3A = arith.constant 0 : i32
    %cond3A_2 = arith.cmpi ne, %convert_element_type3A, %cond3A : i32
    scf.if %cond3A_2 {
      %mul3A_7 = arith.constant 20 : i32
      %mul3A_8 = arith.muli %add3A, %mul3A_7 : i32
      %add3A_9 = arith.constant 0 : i32
      %add3A_10 = arith.addi %add3A_9, %mul3A_8 : i32
      "tpu.region"() ({
        %run_scoped3A = tpu.sem_alloc : memref<!tpu.dma_semaphore, #tpu.memory_space<semaphore_mem>>
        %dma_start3A = arith.constant 0 : i32
        %dma_start3A_27 = arith.constant 0 : i32
        %dma_start3A_28 = arith.constant 0 : i32
        %dma_start3A_29 = tpu.memref_slice %arg5[%dma_start3A, %dma_start3A_27, %dma_start3A_28] : memref<20x8x128xi32, #tpu.memory_space<vmem>> -> memref<20x8x128xi32, #tpu.memory_space<vmem>>
        %dma_start3A_30 = arith.constant 0 : i32
        %dma_start3A_31 = arith.constant 0 : i32
        %dma_start3A_32 = tpu.memref_slice %arg3[%add3A_10, %dma_start3A_30, %dma_start3A_31] : memref<1250x8x128xi32, #tpu.memory_space<hbm>> -> memref<20x8x128xi32, #tpu.memory_space<hbm>>
        %dma_start3A_33 = arith.constant 0 : i32
        %dma_start3A_34 = arith.constant 0 : i32
        %dma_start3A_35 = arith.constant 0 : i32
        %dma_start3A_36 = tpu.memref_slice %arg5[%dma_start3A_33, %dma_start3A_34, %dma_start3A_35] : memref<20x8x128xi32, #tpu.memory_space<vmem>> -> memref<20x8x128xi32, #tpu.memory_space<vmem>>
        %dma_start3A_37 = arith.constant 0 : i32
        %dma_start3A_38 = arith.constant 0 : i32
        %dma_start3A_39 = tpu.memref_slice %arg3[%add3A_10, %dma_start3A_37, %dma_start3A_38] : memref<1250x8x128xi32, #tpu.memory_space<hbm>> -> memref<20x8x128xi32, #tpu.memory_space<hbm>>
        tpu.enqueue_dma source(%dma_start3A_39 : memref<20x8x128xi32, #tpu.memory_space<hbm>>) target(%dma_start3A_36 : memref<20x8x128xi32, #tpu.memory_space<vmem>>) target_semaphore(%run_scoped3A : memref<!tpu.dma_semaphore, #tpu.memory_space<semaphore_mem>>)
        %dma_wait3A = arith.constant 0 : i32
        %dma_wait3A_40 = arith.constant 0 : i32
        %dma_wait3A_41 = arith.constant 0 : i32
        %dma_wait3A_42 = tpu.memref_slice %arg5[%dma_wait3A, %dma_wait3A_40, %dma_wait3A_41] : memref<20x8x128xi32, #tpu.memory_space<vmem>> -> memref<20x8x128xi32, #tpu.memory_space<vmem>>
        %dma_wait3A_43 = arith.constant 0 : i32
        %dma_wait3A_44 = arith.constant 0 : i32
        %dma_wait3A_45 = tpu.memref_slice %arg3[%add3A_10, %dma_wait3A_43, %dma_wait3A_44] : memref<1250x8x128xi32, #tpu.memory_space<hbm>> -> memref<20x8x128xi32, #tpu.memory_space<hbm>>
        %dma_wait3A_46 = arith.constant 0 : i32
        %dma_wait3A_47 = arith.constant 0 : i32
        %dma_wait3A_48 = arith.constant 0 : i32
        %dma_wait3A_49 = tpu.memref_slice %arg5[%dma_wait3A_46, %dma_wait3A_47, %dma_wait3A_48] : memref<20x8x128xi32, #tpu.memory_space<vmem>> -> memref<20x8x128xi32, #tpu.memory_space<vmem>>
        %dma_wait3A_50 = arith.constant 0 : i32
        %dma_wait3A_51 = arith.constant 0 : i32
        %dma_wait3A_52 = tpu.memref_slice %arg3[%add3A_10, %dma_wait3A_50, %dma_wait3A_51] : memref<1250x8x128xi32, #tpu.memory_space<hbm>> -> memref<20x8x128xi32, #tpu.memory_space<hbm>>
        tpu.wait_dma2 semaphore(%run_scoped3A : memref<!tpu.dma_semaphore, #tpu.memory_space<semaphore_mem>>) src(%dma_wait3A_52 : memref<20x8x128xi32, #tpu.memory_space<hbm>>) dst(%dma_wait3A_49 : memref<20x8x128xi32, #tpu.memory_space<vmem>>)
        tpu.yield
      }) : () -> ()
      %scan3A = arith.constant 0 : i32
      %scan3A_11 = arith.constant 20 : i32
      %scan3A_12 = arith.addi %scan3A, %scan3A_11 : i32
      %scan3A_13 = arith.constant 1 : i32
      scf.for %scan3A_27 = %scan3A to %scan3A_12 step %scan3A_13  : i32 {
        %mul3A_28 = arith.constant 1 : i32
        %mul3A_29 = arith.muli %scan3A_27, %mul3A_28 : i32
        %add3A_30 = arith.constant 0 : i32
        %add3A_31 = arith.addi %add3A_30, %mul3A_29 : i32
        %get3A = arith.constant 0 : i32
        %get3A_32 = arith.index_cast %add3A_31 : i32 to index
        %get3A_33 = arith.index_cast %get3A : i32 to index
        %get3A_34 = arith.constant 0 : index
        %get3A_35 = tpu.vector_load %arg5[%get3A_32, %get3A_33, %get3A_34] {strides = array<i32>} : memref<20x8x128xi32, #tpu.memory_space<vmem>>, vector<1x1x16xi32>,
        %get3A_36 = vector.shape_cast %get3A_35 : vector<1x1x16xi32> to vector<16xi32>
        %mul3A_37 = arith.constant 8 : i32
        %mul3A_38 = vector.broadcast %mul3A_37 : i32 to vector<16xi32>
        %mul3A_39 = arith.muli %get3A_36, %mul3A_38 : vector<16xi32>
        %swap3A = arith.index_cast %add3A_31 : i32 to index
        %swap3A_40 = arith.constant 0 : index
        %swap3A_41 = tpu.vector_load %arg6[%swap3A, %swap3A_40] {strides = array<i32>} : memref<20x128xi32, #tpu.memory_space<vmem>>, vector<1x16xi32>,
        %swap3A_42 = vector.shape_cast %swap3A_41 : vector<1x16xi32> to vector<16xi32>
        %swap3A_43 = vector.shape_cast %mul3A_39 : vector<16xi32> to vector<1x16xi32>
        tpu.vector_store %arg6[%swap3A, %swap3A_40], %swap3A_43 {strides = array<i32>} : memref<20x128xi32, #tpu.memory_space<vmem>>, vector<1x16xi32>,
        %get3A_44 = arith.constant 1 : i32
        %get3A_45 = arith.index_cast %add3A_31 : i32 to index
        %get3A_46 = arith.index_cast %get3A_44 : i32 to index
        %get3A_47 = arith.constant 0 : index
        %get3A_48 = tpu.vector_load %arg5[%get3A_45, %get3A_46, %get3A_47] {strides = array<i32>} : memref<20x8x128xi32, #tpu.memory_space<vmem>>, vector<1x1x16xi32>,
        %get3A_49 = vector.shape_cast %get3A_48 : vector<1x1x16xi32> to vector<16xi32>
        %mul3A_50 = arith.constant 8 : i32
        %mul3A_51 = vector.broadcast %mul3A_50 : i32 to vector<16xi32>
        %mul3A_52 = arith.muli %get3A_49, %mul3A_51 : vector<16xi32>
        %swap3A_53 = arith.index_cast %add3A_31 : i32 to index
        %swap3A_54 = arith.constant 16 : index
        %swap3A_55 = tpu.vector_load %arg6[%swap3A_53, %swap3A_54] {strides = array<i32>} : memref<20x128xi32, #tpu.memory_space<vmem>>, vector<1x16xi32>,
        %swap3A_56 = vector.shape_cast %swap3A_55 : vector<1x16xi32> to vector<16xi32>
        %swap3A_57 = vector.shape_cast %mul3A_52 : vector<16xi32> to vector<1x16xi32>
        tpu.vector_store %arg6[%swap3A_53, %swap3A_54], %swap3A_57 {strides = array<i32>} : memref<20x128xi32, #tpu.memory_space<vmem>>, vector<1x16xi32>,
        %get3A_58 = arith.constant 2 : i32
        %get3A_59 = arith.index_cast %add3A_31 : i32 to index
        %get3A_60 = arith.index_cast %get3A_58 : i32 to index
        %get3A_61 = arith.constant 0 : index
        %get3A_62 = tpu.vector_load %arg5[%get3A_59, %get3A_60, %get3A_61] {strides = array<i32>} : memref<20x8x128xi32, #tpu.memory_space<vmem>>, vector<1x1x16xi32>,
        %get3A_63 = vector.shape_cast %get3A_62 : vector<1x1x16xi32> to vector<16xi32>
        %mul3A_64 = arith.constant 8 : i32
        %mul3A_65 = vector.broadcast %mul3A_64 : i32 to vector<16xi32>
        %mul3A_66 = arith.muli %get3A_63, %mul3A_65 : vector<16xi32>
        %swap3A_67 = arith.index_cast %add3A_31 : i32 to index
        %swap3A_68 = arith.constant 32 : index
        %swap3A_69 = tpu.vector_load %arg6[%swap3A_67, %swap3A_68] {strides = array<i32>} : memref<20x128xi32, #tpu.memory_space<vmem>>, vector<1x16xi32>,
        %swap3A_70 = vector.shape_cast %swap3A_69 : vector<1x16xi32> to vector<16xi32>
        %swap3A_71 = vector.shape_cast %mul3A_66 : vector<16xi32> to vector<1x16xi32>
        tpu.vector_store %arg6[%swap3A_67, %swap3A_68], %swap3A_71 {strides = array<i32>} : memref<20x128xi32, #tpu.memory_space<vmem>>, vector<1x16xi32>,
        %get3A_72 = arith.constant 3 : i32
        %get3A_73 = arith.index_cast %add3A_31 : i32 to index
        %get3A_74 = arith.index_cast %get3A_72 : i32 to index
        %get3A_75 = arith.constant 0 : index
        %get3A_76 = tpu.vector_load %arg5[%get3A_73, %get3A_74, %get3A_75] {strides = array<i32>} : memref<20x8x128xi32, #tpu.memory_space<vmem>>, vector<1x1x16xi32>,
        %get3A_77 = vector.shape_cast %get3A_76 : vector<1x1x16xi32> to vector<16xi32>
        %mul3A_78 = arith.constant 8 : i32
        %mul3A_79 = vector.broadcast %mul3A_78 : i32 to vector<16xi32>
        %mul3A_80 = arith.muli %get3A_77, %mul3A_79 : vector<16xi32>
        %swap3A_81 = arith.index_cast %add3A_31 : i32 to index
        %swap3A_82 = arith.constant 48 : index
        %swap3A_83 = tpu.vector_load %arg6[%swap3A_81, %swap3A_82] {strides = array<i32>} : memref<20x128xi32, #tpu.memory_space<vmem>>, vector<1x16xi32>,
        %swap3A_84 = vector.shape_cast %swap3A_83 : vector<1x16xi32> to vector<16xi32>
        %swap3A_85 = vector.shape_cast %mul3A_80 : vector<16xi32> to vector<1x16xi32>
        tpu.vector_store %arg6[%swap3A_81, %swap3A_82], %swap3A_85 {strides = array<i32>} : memref<20x128xi32, #tpu.memory_space<vmem>>, vector<1x16xi32>,
        %get3A_86 = arith.constant 4 : i32
        %get3A_87 = arith.index_cast %add3A_31 : i32 to index
        %get3A_88 = arith.index_cast %get3A_86 : i32 to index
        %get3A_89 = arith.constant 0 : index
        %get3A_90 = tpu.vector_load %arg5[%get3A_87, %get3A_88, %get3A_89] {strides = array<i32>} : memref<20x8x128xi32, #tpu.memory_space<vmem>>, vector<1x1x16xi32>,
        %get3A_91 = vector.shape_cast %get3A_90 : vector<1x1x16xi32> to vector<16xi32>
        %mul3A_92 = arith.constant 8 : i32
        %mul3A_93 = vector.broadcast %mul3A_92 : i32 to vector<16xi32>
        %mul3A_94 = arith.muli %get3A_91, %mul3A_93 : vector<16xi32>
        %swap3A_95 = arith.index_cast %add3A_31 : i32 to index
        %swap3A_96 = arith.constant 64 : index
        %swap3A_97 = tpu.vector_load %arg6[%swap3A_95, %swap3A_96] {strides = array<i32>} : memref<20x128xi32, #tpu.memory_space<vmem>>, vector<1x16xi32>,
        %swap3A_98 = vector.shape_cast %swap3A_97 : vector<1x16xi32> to vector<16xi32>
        %swap3A_99 = vector.shape_cast %mul3A_94 : vector<16xi32> to vector<1x16xi32>
        tpu.vector_store %arg6[%swap3A_95, %swap3A_96], %swap3A_99 {strides = array<i32>} : memref<20x128xi32, #tpu.memory_space<vmem>>, vector<1x16xi32>,
        %get3A_100 = arith.constant 5 : i32
        %get3A_101 = arith.index_cast %add3A_31 : i32 to index
        %get3A_102 = arith.index_cast %get3A_100 : i32 to index
        %get3A_103 = arith.constant 0 : index
        %get3A_104 = tpu.vector_load %arg5[%get3A_101, %get3A_102, %get3A_103] {strides = array<i32>} : memref<20x8x128xi32, #tpu.memory_space<vmem>>, vector<1x1x16xi32>,
        %get3A_105 = vector.shape_cast %get3A_104 : vector<1x1x16xi32> to vector<16xi32>
        %mul3A_106 = arith.constant 8 : i32
        %mul3A_107 = vector.broadcast %mul3A_106 : i32 to vector<16xi32>
        %mul3A_108 = arith.muli %get3A_105, %mul3A_107 : vector<16xi32>
        %swap3A_109 = arith.index_cast %add3A_31 : i32 to index
        %swap3A_110 = arith.constant 80 : index
        %swap3A_111 = tpu.vector_load %arg6[%swap3A_109, %swap3A_110] {strides = array<i32>} : memref<20x128xi32, #tpu.memory_space<vmem>>, vector<1x16xi32>,
        %swap3A_112 = vector.shape_cast %swap3A_111 : vector<1x16xi32> to vector<16xi32>
        %swap3A_113 = vector.shape_cast %mul3A_108 : vector<16xi32> to vector<1x16xi32>
        tpu.vector_store %arg6[%swap3A_109, %swap3A_110], %swap3A_113 {strides = array<i32>} : memref<20x128xi32, #tpu.memory_space<vmem>>, vector<1x16xi32>,
        %get3A_114 = arith.constant 6 : i32
        %get3A_115 = arith.index_cast %add3A_31 : i32 to index
        %get3A_116 = arith.index_cast %get3A_114 : i32 to index
        %get3A_117 = arith.constant 0 : index
        %get3A_118 = tpu.vector_load %arg5[%get3A_115, %get3A_116, %get3A_117] {strides = array<i32>} : memref<20x8x128xi32, #tpu.memory_space<vmem>>, vector<1x1x16xi32>,
        %get3A_119 = vector.shape_cast %get3A_118 : vector<1x1x16xi32> to vector<16xi32>
        %mul3A_120 = arith.constant 8 : i32
        %mul3A_121 = vector.broadcast %mul3A_120 : i32 to vector<16xi32>
        %mul3A_122 = arith.muli %get3A_119, %mul3A_121 : vector<16xi32>
        %swap3A_123 = arith.index_cast %add3A_31 : i32 to index
        %swap3A_124 = arith.constant 96 : index
        %swap3A_125 = tpu.vector_load %arg6[%swap3A_123, %swap3A_124] {strides = array<i32>} : memref<20x128xi32, #tpu.memory_space<vmem>>, vector<1x16xi32>,
        %swap3A_126 = vector.shape_cast %swap3A_125 : vector<1x16xi32> to vector<16xi32>
        %swap3A_127 = vector.shape_cast %mul3A_122 : vector<16xi32> to vector<1x16xi32>
        tpu.vector_store %arg6[%swap3A_123, %swap3A_124], %swap3A_127 {strides = array<i32>} : memref<20x128xi32, #tpu.memory_space<vmem>>, vector<1x16xi32>,
        %get3A_128 = arith.constant 7 : i32
        %get3A_129 = arith.index_cast %add3A_31 : i32 to index
        %get3A_130 = arith.index_cast %get3A_128 : i32 to index
        %get3A_131 = arith.constant 0 : index
        %get3A_132 = tpu.vector_load %arg5[%get3A_129, %get3A_130, %get3A_131] {strides = array<i32>} : memref<20x8x128xi32, #tpu.memory_space<vmem>>, vector<1x1x16xi32>,
        %get3A_133 = vector.shape_cast %get3A_132 : vector<1x1x16xi32> to vector<16xi32>
        %mul3A_134 = arith.constant 8 : i32
        %mul3A_135 = vector.broadcast %mul3A_134 : i32 to vector<16xi32>
        %mul3A_136 = arith.muli %get3A_133, %mul3A_135 : vector<16xi32>
        %swap3A_137 = arith.index_cast %add3A_31 : i32 to index
        %swap3A_138 = arith.constant 112 : index
        %swap3A_139 = tpu.vector_load %arg6[%swap3A_137, %swap3A_138] {strides = array<i32>} : memref<20x128xi32, #tpu.memory_space<vmem>>, vector<1x16xi32>,
        %swap3A_140 = vector.shape_cast %swap3A_139 : vector<1x16xi32> to vector<16xi32>
        %swap3A_141 = vector.shape_cast %mul3A_136 : vector<16xi32> to vector<1x16xi32>
        tpu.vector_store %arg6[%swap3A_137, %swap3A_138], %swap3A_141 {strides = array<i32>} : memref<20x128xi32, #tpu.memory_space<vmem>>, vector<1x16xi32>,
      }
      %scan3A_14 = arith.constant 20 : i32
      %scan3A_15 = arith.constant 0 : i32
      %scan3A_16 = arith.constant 20 : i32
      %scan3A_17 = arith.addi %scan3A_15, %scan3A_16 : i32
      %scan3A_18 = arith.constant 1 : i32
      scf.for %scan3A_27 = %scan3A_15 to %scan3A_17 step %scan3A_18  : i32 {
        %mul3A_28 = arith.constant 1 : i32
        %mul3A_29 = arith.muli %scan3A_27, %mul3A_28 : i32
        %add3A_30 = arith.constant 0 : i32
        %add3A_31 = arith.addi %add3A_30, %mul3A_29 : i32
        %mul3A_32 = arith.constant 128 : i32
        %mul3A_33 = arith.muli %add3A_31, %mul3A_32 : i32
        %dma_start3A = arith.constant 0 : i32
        %dma_start3A_34 = tpu.memref_slice %arg7[%mul3A_33, %dma_start3A] : memref<2560x16xf32, #tpu.memory_space<vmem>> -> memref<128x16xf32, #tpu.memory_space<vmem>>
        %dma_start3A_35 = arith.constant 0 : i32
        %dma_start3A_36 = tpu.memref_slice %arg6[%add3A_31, %dma_start3A_35] : memref<20x128xi32, #tpu.memory_space<vmem>> -> memref<1x128xi32, #tpu.memory_space<vmem>>
        %dma_start3A_37 = tpu.memref_squeeze %dma_start3A_36 : memref<1x128xi32, #tpu.memory_space<vmem>> -> memref<128xi32, #tpu.memory_space<vmem>>
        %dma_start3A_38 = arith.constant 0 : i32
        %dma_start3A_39 = arith.constant 0 : i32
        %dma_start3A_40 = tpu.memref_slice %arg2[%dma_start3A_38, %dma_start3A_39] : memref<80000x16xf32, #tpu.memory_space<hbm>> -> memref<80000x16xf32, #tpu.memory_space<hbm>>
        tpu.enqueue_indirect_dma source(%dma_start3A_40 : memref<80000x16xf32, #tpu.memory_space<hbm>>) target(%dma_start3A_34 : memref<128x16xf32, #tpu.memory_space<vmem>>) offsets(%dma_start3A_37 : memref<128xi32, #tpu.memory_space<vmem>>) semaphore(%arg8 : memref<!tpu.dma_semaphore, #tpu.memory_space<semaphore_mem>>)
      }
      %scan3A_19 = arith.constant 20 : i32
      %scan3A_20 = arith.constant 0 : i32
      %scan3A_21 = arith.constant 20 : i32
      %scan3A_22 = arith.addi %scan3A_20, %scan3A_21 : i32
      %scan3A_23 = arith.constant 1 : i32
      scf.for %scan3A_27 = %scan3A_20 to %scan3A_22 step %scan3A_23  : i32 {
        %mul3A_28 = arith.constant 1 : i32
        %mul3A_29 = arith.muli %scan3A_27, %mul3A_28 : i32
        %add3A_30 = arith.constant 0 : i32
        %add3A_31 = arith.addi %add3A_30, %mul3A_29 : i32
        %mul3A_32 = arith.constant 128 : i32
        %mul3A_33 = arith.muli %add3A_31, %mul3A_32 : i32
        %dma_wait3A = arith.constant 0 : i32
        %dma_wait3A_34 = tpu.memref_slice %arg7[%mul3A_33, %dma_wait3A] : memref<2560x16xf32, #tpu.memory_space<vmem>> -> memref<128x16xf32, #tpu.memory_space<vmem>>
        %dma_wait3A_35 = arith.constant 0 : i32
        %dma_wait3A_36 = tpu.memref_slice %arg6[%add3A_31, %dma_wait3A_35] : memref<20x128xi32, #tpu.memory_space<vmem>> -> memref<1x128xi32, #tpu.memory_space<vmem>>
        %dma_wait3A_37 = tpu.memref_squeeze %dma_wait3A_36 : memref<1x128xi32, #tpu.memory_space<vmem>> -> memref<128xi32, #tpu.memory_space<vmem>>
        %dma_wait3A_38 = arith.constant 0 : i32
        %dma_wait3A_39 = arith.constant 0 : i32
        %dma_wait3A_40 = tpu.memref_slice %arg2[%dma_wait3A_38, %dma_wait3A_39] : memref<80000x16xf32, #tpu.memory_space<hbm>> -> memref<80000x16xf32, #tpu.memory_space<hbm>>
        tpu.wait_indirect_dma semaphore(%arg8 : memref<!tpu.dma_semaphore, #tpu.memory_space<semaphore_mem>>) src(%dma_wait3A_40 : memref<80000x16xf32, #tpu.memory_space<hbm>>) dst(%dma_wait3A_34 : memref<128x16xf32, #tpu.memory_space<vmem>>)
      }
      %scan3A_24 = arith.constant 20 : i32
      %mul3A_25 = arith.constant 2560 : i32
      %mul3A_26 = arith.muli %add3A, %mul3A_25 : i32
      "tpu.region"() ({
        %run_scoped3A = tpu.sem_alloc : memref<!tpu.dma_semaphore, #tpu.memory_space<semaphore_mem>>
        %dma_start3A = arith.constant 0 : i32
        %dma_start3A_27 = arith.constant 0 : i32
        %dma_start3A_28 = tpu.memref_slice %arg7[%dma_start3A, %dma_start3A_27] : memref<2560x16xf32, #tpu.memory_space<vmem>> -> memref<2560x16xf32, #tpu.memory_space<vmem>>
        %dma_start3A_29 = arith.constant 0 : i32
        %dma_start3A_30 = tpu.memref_slice %arg4[%mul3A_26, %dma_start3A_29] : memref<80000x16xf32, #tpu.memory_space<hbm>> -> memref<2560x16xf32, #tpu.memory_space<hbm>>
        %dma_start3A_31 = arith.constant 0 : i32
        %dma_start3A_32 = tpu.memref_slice %arg4[%mul3A_26, %dma_start3A_31] : memref<80000x16xf32, #tpu.memory_space<hbm>> -> memref<2560x16xf32, #tpu.memory_space<hbm>>
        %dma_start3A_33 = arith.constant 0 : i32
        %dma_start3A_34 = arith.constant 0 : i32
        %dma_start3A_35 = tpu.memref_slice %arg7[%dma_start3A_33, %dma_start3A_34] : memref<2560x16xf32, #tpu.memory_space<vmem>> -> memref<2560x16xf32, #tpu.memory_space<vmem>>
        tpu.enqueue_dma source(%dma_start3A_35 : memref<2560x16xf32, #tpu.memory_space<vmem>>) target(%dma_start3A_32 : memref<2560x16xf32, #tpu.memory_space<hbm>>) target_semaphore(%run_scoped3A : memref<!tpu.dma_semaphore, #tpu.memory_space<semaphore_mem>>)
        %dma_wait3A = arith.constant 0 : i32
        %dma_wait3A_36 = arith.constant 0 : i32
        %dma_wait3A_37 = tpu.memref_slice %arg7[%dma_wait3A, %dma_wait3A_36] : memref<2560x16xf32, #tpu.memory_space<vmem>> -> memref<2560x16xf32, #tpu.memory_space<vmem>>
        %dma_wait3A_38 = arith.constant 0 : i32
        %dma_wait3A_39 = tpu.memref_slice %arg4[%mul3A_26, %dma_wait3A_38] : memref<80000x16xf32, #tpu.memory_space<hbm>> -> memref<2560x16xf32, #tpu.memory_space<hbm>>
        %dma_wait3A_40 = arith.constant 0 : i32
        %dma_wait3A_41 = tpu.memref_slice %arg4[%mul3A_26, %dma_wait3A_40] : memref<80000x16xf32, #tpu.memory_space<hbm>> -> memref<2560x16xf32, #tpu.memory_space<hbm>>
        %dma_wait3A_42 = arith.constant 0 : i32
        %dma_wait3A_43 = arith.constant 0 : i32
        %dma_wait3A_44 = tpu.memref_slice %arg7[%dma_wait3A_42, %dma_wait3A_43] : memref<2560x16xf32, #tpu.memory_space<vmem>> -> memref<2560x16xf32, #tpu.memory_space<vmem>>
        tpu.wait_dma2 semaphore(%run_scoped3A : memref<!tpu.dma_semaphore, #tpu.memory_space<semaphore_mem>>) src(%dma_wait3A_44 : memref<2560x16xf32, #tpu.memory_space<vmem>>) dst(%dma_wait3A_41 : memref<2560x16xf32, #tpu.memory_space<hbm>>)
        tpu.yield
      }) : () -> ()
    } else {
    }
    %eq3A = arith.constant 31 : i32
    %eq3A_3 = arith.cmpi eq, %add3A, %eq3A : i32
    %convert_element_type3A_4 = arith.extui %eq3A_3 : i1 to i32
    %cond3A_5 = arith.constant 0 : i32
    %cond3A_6 = arith.cmpi ne, %convert_element_type3A_4, %cond3A_5 : i32
    scf.if %cond3A_6 {
      %mul3A_7 = arith.constant 20 : i32
      %mul3A_8 = arith.muli %add3A, %mul3A_7 : i32
      %add3A_9 = arith.constant 0 : i32
      %add3A_10 = arith.addi %add3A_9, %mul3A_8 : i32
      "tpu.region"() ({
        %run_scoped3A = tpu.sem_alloc : memref<!tpu.dma_semaphore, #tpu.memory_space<semaphore_mem>>
        %dma_start3A = arith.constant 0 : i32
        %dma_start3A_27 = arith.constant 0 : i32
        %dma_start3A_28 = arith.constant 0 : i32
        %dma_start3A_29 = tpu.memref_slice %arg5[%dma_start3A, %dma_start3A_27, %dma_start3A_28] : memref<20x8x128xi32, #tpu.memory_space<vmem>> -> memref<5x8x128xi32, #tpu.memory_space<vmem>>
        %dma_start3A_30 = arith.constant 0 : i32
        %dma_start3A_31 = arith.constant 0 : i32
        %dma_start3A_32 = tpu.memref_slice %arg3[%add3A_10, %dma_start3A_30, %dma_start3A_31] : memref<1250x8x128xi32, #tpu.memory_space<hbm>> -> memref<5x8x128xi32, #tpu.memory_space<hbm>>
        %dma_start3A_33 = arith.constant 0 : i32
        %dma_start3A_34 = arith.constant 0 : i32
        %dma_start3A_35 = arith.constant 0 : i32
        %dma_start3A_36 = tpu.memref_slice %arg5[%dma_start3A_33, %dma_start3A_34, %dma_start3A_35] : memref<20x8x128xi32, #tpu.memory_space<vmem>> -> memref<5x8x128xi32, #tpu.memory_space<vmem>>
        %dma_start3A_37 = arith.constant 0 : i32
        %dma_start3A_38 = arith.constant 0 : i32
        %dma_start3A_39 = tpu.memref_slice %arg3[%add3A_10, %dma_start3A_37, %dma_start3A_38] : memref<1250x8x128xi32, #tpu.memory_space<hbm>> -> memref<5x8x128xi32, #tpu.memory_space<hbm>>
        tpu.enqueue_dma source(%dma_start3A_39 : memref<5x8x128xi32, #tpu.memory_space<hbm>>) target(%dma_start3A_36 : memref<5x8x128xi32, #tpu.memory_space<vmem>>) target_semaphore(%run_scoped3A : memref<!tpu.dma_semaphore, #tpu.memory_space<semaphore_mem>>)
        %dma_wait3A = arith.constant 0 : i32
        %dma_wait3A_40 = arith.constant 0 : i32
        %dma_wait3A_41 = arith.constant 0 : i32
        %dma_wait3A_42 = tpu.memref_slice %arg5[%dma_wait3A, %dma_wait3A_40, %dma_wait3A_41] : memref<20x8x128xi32, #tpu.memory_space<vmem>> -> memref<5x8x128xi32, #tpu.memory_space<vmem>>
        %dma_wait3A_43 = arith.constant 0 : i32
        %dma_wait3A_44 = arith.constant 0 : i32
        %dma_wait3A_45 = tpu.memref_slice %arg3[%add3A_10, %dma_wait3A_43, %dma_wait3A_44] : memref<1250x8x128xi32, #tpu.memory_space<hbm>> -> memref<5x8x128xi32, #tpu.memory_space<hbm>>
        %dma_wait3A_46 = arith.constant 0 : i32
        %dma_wait3A_47 = arith.constant 0 : i32
        %dma_wait3A_48 = arith.constant 0 : i32
        %dma_wait3A_49 = tpu.memref_slice %arg5[%dma_wait3A_46, %dma_wait3A_47, %dma_wait3A_48] : memref<20x8x128xi32, #tpu.memory_space<vmem>> -> memref<5x8x128xi32, #tpu.memory_space<vmem>>
        %dma_wait3A_50 = arith.constant 0 : i32
        %dma_wait3A_51 = arith.constant 0 : i32
        %dma_wait3A_52 = tpu.memref_slice %arg3[%add3A_10, %dma_wait3A_50, %dma_wait3A_51] : memref<1250x8x128xi32, #tpu.memory_space<hbm>> -> memref<5x8x128xi32, #tpu.memory_space<hbm>>
        tpu.wait_dma2 semaphore(%run_scoped3A : memref<!tpu.dma_semaphore, #tpu.memory_space<semaphore_mem>>) src(%dma_wait3A_52 : memref<5x8x128xi32, #tpu.memory_space<hbm>>) dst(%dma_wait3A_49 : memref<5x8x128xi32, #tpu.memory_space<vmem>>)
        tpu.yield
      }) : () -> ()
      %scan3A = arith.constant 0 : i32
      %scan3A_11 = arith.constant 5 : i32
      %scan3A_12 = arith.addi %scan3A, %scan3A_11 : i32
      %scan3A_13 = arith.constant 1 : i32
      scf.for %scan3A_27 = %scan3A to %scan3A_12 step %scan3A_13  : i32 {
        %mul3A_28 = arith.constant 1 : i32
        %mul3A_29 = arith.muli %scan3A_27, %mul3A_28 : i32
        %add3A_30 = arith.constant 0 : i32
        %add3A_31 = arith.addi %add3A_30, %mul3A_29 : i32
        %get3A = arith.constant 0 : i32
        %get3A_32 = arith.index_cast %add3A_31 : i32 to index
        %get3A_33 = arith.index_cast %get3A : i32 to index
        %get3A_34 = arith.constant 0 : index
        %get3A_35 = tpu.vector_load %arg5[%get3A_32, %get3A_33, %get3A_34] {strides = array<i32>} : memref<20x8x128xi32, #tpu.memory_space<vmem>>, vector<1x1x16xi32>,
        %get3A_36 = vector.shape_cast %get3A_35 : vector<1x1x16xi32> to vector<16xi32>
        %mul3A_37 = arith.constant 8 : i32
        %mul3A_38 = vector.broadcast %mul3A_37 : i32 to vector<16xi32>
        %mul3A_39 = arith.muli %get3A_36, %mul3A_38 : vector<16xi32>
        %swap3A = arith.index_cast %add3A_31 : i32 to index
        %swap3A_40 = arith.constant 0 : index
        %swap3A_41 = tpu.vector_load %arg6[%swap3A, %swap3A_40] {strides = array<i32>} : memref<20x128xi32, #tpu.memory_space<vmem>>, vector<1x16xi32>,
        %swap3A_42 = vector.shape_cast %swap3A_41 : vector<1x16xi32> to vector<16xi32>
        %swap3A_43 = vector.shape_cast %mul3A_39 : vector<16xi32> to vector<1x16xi32>
        tpu.vector_store %arg6[%swap3A, %swap3A_40], %swap3A_43 {strides = array<i32>} : memref<20x128xi32, #tpu.memory_space<vmem>>, vector<1x16xi32>,
        %get3A_44 = arith.constant 1 : i32
        %get3A_45 = arith.index_cast %add3A_31 : i32 to index
        %get3A_46 = arith.index_cast %get3A_44 : i32 to index
        %get3A_47 = arith.constant 0 : index
        %get3A_48 = tpu.vector_load %arg5[%get3A_45, %get3A_46, %get3A_47] {strides = array<i32>} : memref<20x8x128xi32, #tpu.memory_space<vmem>>, vector<1x1x16xi32>,
        %get3A_49 = vector.shape_cast %get3A_48 : vector<1x1x16xi32> to vector<16xi32>
        %mul3A_50 = arith.constant 8 : i32
        %mul3A_51 = vector.broadcast %mul3A_50 : i32 to vector<16xi32>
        %mul3A_52 = arith.muli %get3A_49, %mul3A_51 : vector<16xi32>
        %swap3A_53 = arith.index_cast %add3A_31 : i32 to index
        %swap3A_54 = arith.constant 16 : index
        %swap3A_55 = tpu.vector_load %arg6[%swap3A_53, %swap3A_54] {strides = array<i32>} : memref<20x128xi32, #tpu.memory_space<vmem>>, vector<1x16xi32>,
        %swap3A_56 = vector.shape_cast %swap3A_55 : vector<1x16xi32> to vector<16xi32>
        %swap3A_57 = vector.shape_cast %mul3A_52 : vector<16xi32> to vector<1x16xi32>
        tpu.vector_store %arg6[%swap3A_53, %swap3A_54], %swap3A_57 {strides = array<i32>} : memref<20x128xi32, #tpu.memory_space<vmem>>, vector<1x16xi32>,
        %get3A_58 = arith.constant 2 : i32
        %get3A_59 = arith.index_cast %add3A_31 : i32 to index
        %get3A_60 = arith.index_cast %get3A_58 : i32 to index
        %get3A_61 = arith.constant 0 : index
        %get3A_62 = tpu.vector_load %arg5[%get3A_59, %get3A_60, %get3A_61] {strides = array<i32>} : memref<20x8x128xi32, #tpu.memory_space<vmem>>, vector<1x1x16xi32>,
        %get3A_63 = vector.shape_cast %get3A_62 : vector<1x1x16xi32> to vector<16xi32>
        %mul3A_64 = arith.constant 8 : i32
        %mul3A_65 = vector.broadcast %mul3A_64 : i32 to vector<16xi32>
        %mul3A_66 = arith.muli %get3A_63, %mul3A_65 : vector<16xi32>
        %swap3A_67 = arith.index_cast %add3A_31 : i32 to index
        %swap3A_68 = arith.constant 32 : index
        %swap3A_69 = tpu.vector_load %arg6[%swap3A_67, %swap3A_68] {strides = array<i32>} : memref<20x128xi32, #tpu.memory_space<vmem>>, vector<1x16xi32>,
        %swap3A_70 = vector.shape_cast %swap3A_69 : vector<1x16xi32> to vector<16xi32>
        %swap3A_71 = vector.shape_cast %mul3A_66 : vector<16xi32> to vector<1x16xi32>
        tpu.vector_store %arg6[%swap3A_67, %swap3A_68], %swap3A_71 {strides = array<i32>} : memref<20x128xi32, #tpu.memory_space<vmem>>, vector<1x16xi32>,
        %get3A_72 = arith.constant 3 : i32
        %get3A_73 = arith.index_cast %add3A_31 : i32 to index
        %get3A_74 = arith.index_cast %get3A_72 : i32 to index
        %get3A_75 = arith.constant 0 : index
        %get3A_76 = tpu.vector_load %arg5[%get3A_73, %get3A_74, %get3A_75] {strides = array<i32>} : memref<20x8x128xi32, #tpu.memory_space<vmem>>, vector<1x1x16xi32>,
        %get3A_77 = vector.shape_cast %get3A_76 : vector<1x1x16xi32> to vector<16xi32>
        %mul3A_78 = arith.constant 8 : i32
        %mul3A_79 = vector.broadcast %mul3A_78 : i32 to vector<16xi32>
        %mul3A_80 = arith.muli %get3A_77, %mul3A_79 : vector<16xi32>
        %swap3A_81 = arith.index_cast %add3A_31 : i32 to index
        %swap3A_82 = arith.constant 48 : index
        %swap3A_83 = tpu.vector_load %arg6[%swap3A_81, %swap3A_82] {strides = array<i32>} : memref<20x128xi32, #tpu.memory_space<vmem>>, vector<1x16xi32>,
        %swap3A_84 = vector.shape_cast %swap3A_83 : vector<1x16xi32> to vector<16xi32>
        %swap3A_85 = vector.shape_cast %mul3A_80 : vector<16xi32> to vector<1x16xi32>
        tpu.vector_store %arg6[%swap3A_81, %swap3A_82], %swap3A_85 {strides = array<i32>} : memref<20x128xi32, #tpu.memory_space<vmem>>, vector<1x16xi32>,
        %get3A_86 = arith.constant 4 : i32
        %get3A_87 = arith.index_cast %add3A_31 : i32 to index
        %get3A_88 = arith.index_cast %get3A_86 : i32 to index
        %get3A_89 = arith.constant 0 : index
        %get3A_90 = tpu.vector_load %arg5[%get3A_87, %get3A_88, %get3A_89] {strides = array<i32>} : memref<20x8x128xi32, #tpu.memory_space<vmem>>, vector<1x1x16xi32>,
        %get3A_91 = vector.shape_cast %get3A_90 : vector<1x1x16xi32> to vector<16xi32>
        %mul3A_92 = arith.constant 8 : i32
        %mul3A_93 = vector.broadcast %mul3A_92 : i32 to vector<16xi32>
        %mul3A_94 = arith.muli %get3A_91, %mul3A_93 : vector<16xi32>
        %swap3A_95 = arith.index_cast %add3A_31 : i32 to index
        %swap3A_96 = arith.constant 64 : index
        %swap3A_97 = tpu.vector_load %arg6[%swap3A_95, %swap3A_96] {strides = array<i32>} : memref<20x128xi32, #tpu.memory_space<vmem>>, vector<1x16xi32>,
        %swap3A_98 = vector.shape_cast %swap3A_97 : vector<1x16xi32> to vector<16xi32>
        %swap3A_99 = vector.shape_cast %mul3A_94 : vector<16xi32> to vector<1x16xi32>
        tpu.vector_store %arg6[%swap3A_95, %swap3A_96], %swap3A_99 {strides = array<i32>} : memref<20x128xi32, #tpu.memory_space<vmem>>, vector<1x16xi32>,
        %get3A_100 = arith.constant 5 : i32
        %get3A_101 = arith.index_cast %add3A_31 : i32 to index
        %get3A_102 = arith.index_cast %get3A_100 : i32 to index
        %get3A_103 = arith.constant 0 : index
        %get3A_104 = tpu.vector_load %arg5[%get3A_101, %get3A_102, %get3A_103] {strides = array<i32>} : memref<20x8x128xi32, #tpu.memory_space<vmem>>, vector<1x1x16xi32>,
        %get3A_105 = vector.shape_cast %get3A_104 : vector<1x1x16xi32> to vector<16xi32>
        %mul3A_106 = arith.constant 8 : i32
        %mul3A_107 = vector.broadcast %mul3A_106 : i32 to vector<16xi32>
        %mul3A_108 = arith.muli %get3A_105, %mul3A_107 : vector<16xi32>
        %swap3A_109 = arith.index_cast %add3A_31 : i32 to index
        %swap3A_110 = arith.constant 80 : index
        %swap3A_111 = tpu.vector_load %arg6[%swap3A_109, %swap3A_110] {strides = array<i32>} : memref<20x128xi32, #tpu.memory_space<vmem>>, vector<1x16xi32>,
        %swap3A_112 = vector.shape_cast %swap3A_111 : vector<1x16xi32> to vector<16xi32>
        %swap3A_113 = vector.shape_cast %mul3A_108 : vector<16xi32> to vector<1x16xi32>
        tpu.vector_store %arg6[%swap3A_109, %swap3A_110], %swap3A_113 {strides = array<i32>} : memref<20x128xi32, #tpu.memory_space<vmem>>, vector<1x16xi32>,
        %get3A_114 = arith.constant 6 : i32
        %get3A_115 = arith.index_cast %add3A_31 : i32 to index
        %get3A_116 = arith.index_cast %get3A_114 : i32 to index
        %get3A_117 = arith.constant 0 : index
        %get3A_118 = tpu.vector_load %arg5[%get3A_115, %get3A_116, %get3A_117] {strides = array<i32>} : memref<20x8x128xi32, #tpu.memory_space<vmem>>, vector<1x1x16xi32>,
        %get3A_119 = vector.shape_cast %get3A_118 : vector<1x1x16xi32> to vector<16xi32>
        %mul3A_120 = arith.constant 8 : i32
        %mul3A_121 = vector.broadcast %mul3A_120 : i32 to vector<16xi32>
        %mul3A_122 = arith.muli %get3A_119, %mul3A_121 : vector<16xi32>
        %swap3A_123 = arith.index_cast %add3A_31 : i32 to index
        %swap3A_124 = arith.constant 96 : index
        %swap3A_125 = tpu.vector_load %arg6[%swap3A_123, %swap3A_124] {strides = array<i32>} : memref<20x128xi32, #tpu.memory_space<vmem>>, vector<1x16xi32>,
        %swap3A_126 = vector.shape_cast %swap3A_125 : vector<1x16xi32> to vector<16xi32>
        %swap3A_127 = vector.shape_cast %mul3A_122 : vector<16xi32> to vector<1x16xi32>
        tpu.vector_store %arg6[%swap3A_123, %swap3A_124], %swap3A_127 {strides = array<i32>} : memref<20x128xi32, #tpu.memory_space<vmem>>, vector<1x16xi32>,
        %get3A_128 = arith.constant 7 : i32
        %get3A_129 = arith.index_cast %add3A_31 : i32 to index
        %get3A_130 = arith.index_cast %get3A_128 : i32 to index
        %get3A_131 = arith.constant 0 : index
        %get3A_132 = tpu.vector_load %arg5[%get3A_129, %get3A_130, %get3A_131] {strides = array<i32>} : memref<20x8x128xi32, #tpu.memory_space<vmem>>, vector<1x1x16xi32>,
        %get3A_133 = vector.shape_cast %get3A_132 : vector<1x1x16xi32> to vector<16xi32>
        %mul3A_134 = arith.constant 8 : i32
        %mul3A_135 = vector.broadcast %mul3A_134 : i32 to vector<16xi32>
        %mul3A_136 = arith.muli %get3A_133, %mul3A_135 : vector<16xi32>
        %swap3A_137 = arith.index_cast %add3A_31 : i32 to index
        %swap3A_138 = arith.constant 112 : index
        %swap3A_139 = tpu.vector_load %arg6[%swap3A_137, %swap3A_138] {strides = array<i32>} : memref<20x128xi32, #tpu.memory_space<vmem>>, vector<1x16xi32>,
        %swap3A_140 = vector.shape_cast %swap3A_139 : vector<1x16xi32> to vector<16xi32>
        %swap3A_141 = vector.shape_cast %mul3A_136 : vector<16xi32> to vector<1x16xi32>
        tpu.vector_store %arg6[%swap3A_137, %swap3A_138], %swap3A_141 {strides = array<i32>} : memref<20x128xi32, #tpu.memory_space<vmem>>, vector<1x16xi32>,
      }
      %scan3A_14 = arith.constant 5 : i32
      %scan3A_15 = arith.constant 0 : i32
      %scan3A_16 = arith.constant 5 : i32
      %scan3A_17 = arith.addi %scan3A_15, %scan3A_16 : i32
      %scan3A_18 = arith.constant 1 : i32
      scf.for %scan3A_27 = %scan3A_15 to %scan3A_17 step %scan3A_18  : i32 {
        %mul3A_28 = arith.constant 1 : i32
        %mul3A_29 = arith.muli %scan3A_27, %mul3A_28 : i32
        %add3A_30 = arith.constant 0 : i32
        %add3A_31 = arith.addi %add3A_30, %mul3A_29 : i32
        %mul3A_32 = arith.constant 128 : i32
        %mul3A_33 = arith.muli %add3A_31, %mul3A_32 : i32
        %dma_start3A = arith.constant 0 : i32
        %dma_start3A_34 = tpu.memref_slice %arg7[%mul3A_33, %dma_start3A] : memref<2560x16xf32, #tpu.memory_space<vmem>> -> memref<128x16xf32, #tpu.memory_space<vmem>>
        %dma_start3A_35 = arith.constant 0 : i32
        %dma_start3A_36 = tpu.memref_slice %arg6[%add3A_31, %dma_start3A_35] : memref<20x128xi32, #tpu.memory_space<vmem>> -> memref<1x128xi32, #tpu.memory_space<vmem>>
        %dma_start3A_37 = tpu.memref_squeeze %dma_start3A_36 : memref<1x128xi32, #tpu.memory_space<vmem>> -> memref<128xi32, #tpu.memory_space<vmem>>
        %dma_start3A_38 = arith.constant 0 : i32
        %dma_start3A_39 = arith.constant 0 : i32
        %dma_start3A_40 = tpu.memref_slice %arg2[%dma_start3A_38, %dma_start3A_39] : memref<80000x16xf32, #tpu.memory_space<hbm>> -> memref<80000x16xf32, #tpu.memory_space<hbm>>
        tpu.enqueue_indirect_dma source(%dma_start3A_40 : memref<80000x16xf32, #tpu.memory_space<hbm>>) target(%dma_start3A_34 : memref<128x16xf32, #tpu.memory_space<vmem>>) offsets(%dma_start3A_37 : memref<128xi32, #tpu.memory_space<vmem>>) semaphore(%arg8 : memref<!tpu.dma_semaphore, #tpu.memory_space<semaphore_mem>>)
      }
      %scan3A_19 = arith.constant 5 : i32
      %scan3A_20 = arith.constant 0 : i32
      %scan3A_21 = arith.constant 5 : i32
      %scan3A_22 = arith.addi %scan3A_20, %scan3A_21 : i32
      %scan3A_23 = arith.constant 1 : i32
      scf.for %scan3A_27 = %scan3A_20 to %scan3A_22 step %scan3A_23  : i32 {
        %mul3A_28 = arith.constant 1 : i32
        %mul3A_29 = arith.muli %scan3A_27, %mul3A_28 : i32
        %add3A_30 = arith.constant 0 : i32
        %add3A_31 = arith.addi %add3A_30, %mul3A_29 : i32
        %mul3A_32 = arith.constant 128 : i32
        %mul3A_33 = arith.muli %add3A_31, %mul3A_32 : i32
        %dma_wait3A = arith.constant 0 : i32
        %dma_wait3A_34 = tpu.memref_slice %arg7[%mul3A_33, %dma_wait3A] : memref<2560x16xf32, #tpu.memory_space<vmem>> -> memref<128x16xf32, #tpu.memory_space<vmem>>
        %dma_wait3A_35 = arith.constant 0 : i32
        %dma_wait3A_36 = tpu.memref_slice %arg6[%add3A_31, %dma_wait3A_35] : memref<20x128xi32, #tpu.memory_space<vmem>> -> memref<1x128xi32, #tpu.memory_space<vmem>>
        %dma_wait3A_37 = tpu.memref_squeeze %dma_wait3A_36 : memref<1x128xi32, #tpu.memory_space<vmem>> -> memref<128xi32, #tpu.memory_space<vmem>>
        %dma_wait3A_38 = arith.constant 0 : i32
        %dma_wait3A_39 = arith.constant 0 : i32
        %dma_wait3A_40 = tpu.memref_slice %arg2[%dma_wait3A_38, %dma_wait3A_39] : memref<80000x16xf32, #tpu.memory_space<hbm>> -> memref<80000x16xf32, #tpu.memory_space<hbm>>
        tpu.wait_indirect_dma semaphore(%arg8 : memref<!tpu.dma_semaphore, #tpu.memory_space<semaphore_mem>>) src(%dma_wait3A_40 : memref<80000x16xf32, #tpu.memory_space<hbm>>) dst(%dma_wait3A_34 : memref<128x16xf32, #tpu.memory_space<vmem>>)
      }
      %scan3A_24 = arith.constant 5 : i32
      %mul3A_25 = arith.constant 2560 : i32
      %mul3A_26 = arith.muli %add3A, %mul3A_25 : i32
      "tpu.region"() ({
        %run_scoped3A = tpu.sem_alloc : memref<!tpu.dma_semaphore, #tpu.memory_space<semaphore_mem>>
        %dma_start3A = arith.constant 0 : i32
        %dma_start3A_27 = arith.constant 0 : i32
        %dma_start3A_28 = tpu.memref_slice %arg7[%dma_start3A, %dma_start3A_27] : memref<2560x16xf32, #tpu.memory_space<vmem>> -> memref<640x16xf32, #tpu.memory_space<vmem>>
        %dma_start3A_29 = arith.constant 0 : i32
        %dma_start3A_30 = tpu.memref_slice %arg4[%mul3A_26, %dma_start3A_29] : memref<80000x16xf32, #tpu.memory_space<hbm>> -> memref<640x16xf32, #tpu.memory_space<hbm>>
        %dma_start3A_31 = arith.constant 0 : i32
        %dma_start3A_32 = tpu.memref_slice %arg4[%mul3A_26, %dma_start3A_31] : memref<80000x16xf32, #tpu.memory_space<hbm>> -> memref<640x16xf32, #tpu.memory_space<hbm>>
        %dma_start3A_33 = arith.constant 0 : i32
        %dma_start3A_34 = arith.constant 0 : i32
        %dma_start3A_35 = tpu.memref_slice %arg7[%dma_start3A_33, %dma_start3A_34] : memref<2560x16xf32, #tpu.memory_space<vmem>> -> memref<640x16xf32, #tpu.memory_space<vmem>>
        tpu.enqueue_dma source(%dma_start3A_35 : memref<640x16xf32, #tpu.memory_space<vmem>>) target(%dma_start3A_32 : memref<640x16xf32, #tpu.memory_space<hbm>>) target_semaphore(%run_scoped3A : memref<!tpu.dma_semaphore, #tpu.memory_space<semaphore_mem>>)
        %dma_wait3A = arith.constant 0 : i32
        %dma_wait3A_36 = arith.constant 0 : i32
        %dma_wait3A_37 = tpu.memref_slice %arg7[%dma_wait3A, %dma_wait3A_36] : memref<2560x16xf32, #tpu.memory_space<vmem>> -> memref<640x16xf32, #tpu.memory_space<vmem>>
        %dma_wait3A_38 = arith.constant 0 : i32
        %dma_wait3A_39 = tpu.memref_slice %arg4[%mul3A_26, %dma_wait3A_38] : memref<80000x16xf32, #tpu.memory_space<hbm>> -> memref<640x16xf32, #tpu.memory_space<hbm>>
        %dma_wait3A_40 = arith.constant 0 : i32
        %dma_wait3A_41 = tpu.memref_slice %arg4[%mul3A_26, %dma_wait3A_40] : memref<80000x16xf32, #tpu.memory_space<hbm>> -> memref<640x16xf32, #tpu.memory_space<hbm>>
        %dma_wait3A_42 = arith.constant 0 : i32
        %dma_wait3A_43 = arith.constant 0 : i32
        %dma_wait3A_44 = tpu.memref_slice %arg7[%dma_wait3A_42, %dma_wait3A_43] : memref<2560x16xf32, #tpu.memory_space<vmem>> -> memref<640x16xf32, #tpu.memory_space<vmem>>
        tpu.wait_dma2 semaphore(%run_scoped3A : memref<!tpu.dma_semaphore, #tpu.memory_space<semaphore_mem>>) src(%dma_wait3A_44 : memref<640x16xf32, #tpu.memory_space<vmem>>) dst(%dma_wait3A_41 : memref<640x16xf32, #tpu.memory_space<hbm>>)
        tpu.yield
      }) : () -> ()
    } else {
    }
    return
  }
}

#map = affine_map<(d0, d1) -> (0, 0)>
#map1 = affine_map<(d0, d1) -> (0, 0, 0)>
module attributes {stable_mosaic.version = 14 : i64} {
  func.func @gather_kernel(%arg0: i32, %arg1: i32, %arg2: memref<80000x16xf32, #tpu.memory_space<hbm>>, %arg3: memref<1250x8x128xi32, #tpu.memory_space<hbm>>, %arg4: memref<80000x16xf32, #tpu.memory_space<hbm>>, %arg5: memref<20x8x128xi32, #tpu.memory_space<vmem>>, %arg6: memref<20x128xi32, #tpu.memory_space<vmem>>, %arg7: memref<2560x16xf32, #tpu.memory_space<vmem>>, %arg8: memref<!tpu.dma_semaphore, #tpu.memory_space<semaphore_mem>>) attributes {dimension_semantics = [#tpu.dimension_semantics<core_parallel>, #tpu.dimension_semantics<subcore_parallel>], iteration_bounds = array<i64: 2, 16>, scalar_prefetch = 0 : i64, scratch_operands = 4 : i64, tpu.core_type = #tpu.core_type<sc_vector_subcore>, window_params = [{transform_indices = #map}, {transform_indices = #map1}, {transform_indices = #map}]} {
    %mul3A = arith.constant 2 : i32
    %mul3A_0 = arith.muli %arg1, %mul3A : i32
    %add3A = arith.addi %mul3A_0, %arg0 : i32
    %lt3A = arith.constant 31 : i32
    %lt3A_1 = arith.cmpi slt, %add3A, %lt3A : i32
    %convert_element_type3A = arith.extui %lt3A_1 : i1 to i32
    %cond3A = arith.constant 0 : i32
    %cond3A_2 = arith.cmpi ne, %convert_element_type3A, %cond3A : i32
    scf.if %cond3A_2 {
      %mul3A_7 = arith.constant 20 : i32
      %mul3A_8 = arith.muli %add3A, %mul3A_7 : i32
      %add3A_9 = arith.constant 625 : i32
      %add3A_10 = arith.addi %add3A_9, %mul3A_8 : i32
      "tpu.region"() ({
        %run_scoped3A = tpu.sem_alloc : memref<!tpu.dma_semaphore, #tpu.memory_space<semaphore_mem>>
        %dma_start3A = arith.constant 0 : i32
        %dma_start3A_27 = arith.constant 0 : i32
        %dma_start3A_28 = arith.constant 0 : i32
        %dma_start3A_29 = tpu.memref_slice %arg5[%dma_start3A, %dma_start3A_27, %dma_start3A_28] : memref<20x8x128xi32, #tpu.memory_space<vmem>> -> memref<20x8x128xi32, #tpu.memory_space<vmem>>
        %dma_start3A_30 = arith.constant 0 : i32
        %dma_start3A_31 = arith.constant 0 : i32
        %dma_start3A_32 = tpu.memref_slice %arg3[%add3A_10, %dma_start3A_30, %dma_start3A_31] : memref<1250x8x128xi32, #tpu.memory_space<hbm>> -> memref<20x8x128xi32, #tpu.memory_space<hbm>>
        %dma_start3A_33 = arith.constant 0 : i32
        %dma_start3A_34 = arith.constant 0 : i32
        %dma_start3A_35 = arith.constant 0 : i32
        %dma_start3A_36 = tpu.memref_slice %arg5[%dma_start3A_33, %dma_start3A_34, %dma_start3A_35] : memref<20x8x128xi32, #tpu.memory_space<vmem>> -> memref<20x8x128xi32, #tpu.memory_space<vmem>>
        %dma_start3A_37 = arith.constant 0 : i32
        %dma_start3A_38 = arith.constant 0 : i32
        %dma_start3A_39 = tpu.memref_slice %arg3[%add3A_10, %dma_start3A_37, %dma_start3A_38] : memref<1250x8x128xi32, #tpu.memory_space<hbm>> -> memref<20x8x128xi32, #tpu.memory_space<hbm>>
        tpu.enqueue_dma source(%dma_start3A_39 : memref<20x8x128xi32, #tpu.memory_space<hbm>>) target(%dma_start3A_36 : memref<20x8x128xi32, #tpu.memory_space<vmem>>) target_semaphore(%run_scoped3A : memref<!tpu.dma_semaphore, #tpu.memory_space<semaphore_mem>>)
        %dma_wait3A = arith.constant 0 : i32
        %dma_wait3A_40 = arith.constant 0 : i32
        %dma_wait3A_41 = arith.constant 0 : i32
        %dma_wait3A_42 = tpu.memref_slice %arg5[%dma_wait3A, %dma_wait3A_40, %dma_wait3A_41] : memref<20x8x128xi32, #tpu.memory_space<vmem>> -> memref<20x8x128xi32, #tpu.memory_space<vmem>>
        %dma_wait3A_43 = arith.constant 0 : i32
        %dma_wait3A_44 = arith.constant 0 : i32
        %dma_wait3A_45 = tpu.memref_slice %arg3[%add3A_10, %dma_wait3A_43, %dma_wait3A_44] : memref<1250x8x128xi32, #tpu.memory_space<hbm>> -> memref<20x8x128xi32, #tpu.memory_space<hbm>>
        %dma_wait3A_46 = arith.constant 0 : i32
        %dma_wait3A_47 = arith.constant 0 : i32
        %dma_wait3A_48 = arith.constant 0 : i32
        %dma_wait3A_49 = tpu.memref_slice %arg5[%dma_wait3A_46, %dma_wait3A_47, %dma_wait3A_48] : memref<20x8x128xi32, #tpu.memory_space<vmem>> -> memref<20x8x128xi32, #tpu.memory_space<vmem>>
        %dma_wait3A_50 = arith.constant 0 : i32
        %dma_wait3A_51 = arith.constant 0 : i32
        %dma_wait3A_52 = tpu.memref_slice %arg3[%add3A_10, %dma_wait3A_50, %dma_wait3A_51] : memref<1250x8x128xi32, #tpu.memory_space<hbm>> -> memref<20x8x128xi32, #tpu.memory_space<hbm>>
        tpu.wait_dma2 semaphore(%run_scoped3A : memref<!tpu.dma_semaphore, #tpu.memory_space<semaphore_mem>>) src(%dma_wait3A_52 : memref<20x8x128xi32, #tpu.memory_space<hbm>>) dst(%dma_wait3A_49 : memref<20x8x128xi32, #tpu.memory_space<vmem>>)
        tpu.yield
      }) : () -> ()
      %scan3A = arith.constant 0 : i32
      %scan3A_11 = arith.constant 20 : i32
      %scan3A_12 = arith.addi %scan3A, %scan3A_11 : i32
      %scan3A_13 = arith.constant 1 : i32
      scf.for %scan3A_27 = %scan3A to %scan3A_12 step %scan3A_13  : i32 {
        %mul3A_28 = arith.constant 1 : i32
        %mul3A_29 = arith.muli %scan3A_27, %mul3A_28 : i32
        %add3A_30 = arith.constant 0 : i32
        %add3A_31 = arith.addi %add3A_30, %mul3A_29 : i32
        %get3A = arith.constant 0 : i32
        %get3A_32 = arith.index_cast %add3A_31 : i32 to index
        %get3A_33 = arith.index_cast %get3A : i32 to index
        %get3A_34 = arith.constant 0 : index
        %get3A_35 = tpu.vector_load %arg5[%get3A_32, %get3A_33, %get3A_34] {strides = array<i32>} : memref<20x8x128xi32, #tpu.memory_space<vmem>>, vector<1x1x16xi32>,
        %get3A_36 = vector.shape_cast %get3A_35 : vector<1x1x16xi32> to vector<16xi32>
        %mul3A_37 = arith.constant 8 : i32
        %mul3A_38 = vector.broadcast %mul3A_37 : i32 to vector<16xi32>
        %mul3A_39 = arith.muli %get3A_36, %mul3A_38 : vector<16xi32>
        %swap3A = arith.index_cast %add3A_31 : i32 to index
        %swap3A_40 = arith.constant 0 : index
        %swap3A_41 = tpu.vector_load %arg6[%swap3A, %swap3A_40] {strides = array<i32>} : memref<20x128xi32, #tpu.memory_space<vmem>>, vector<1x16xi32>,
        %swap3A_42 = vector.shape_cast %swap3A_41 : vector<1x16xi32> to vector<16xi32>
        %swap3A_43 = vector.shape_cast %mul3A_39 : vector<16xi32> to vector<1x16xi32>
        tpu.vector_store %arg6[%swap3A, %swap3A_40], %swap3A_43 {strides = array<i32>} : memref<20x128xi32, #tpu.memory_space<vmem>>, vector<1x16xi32>,
        %get3A_44 = arith.constant 1 : i32
        %get3A_45 = arith.index_cast %add3A_31 : i32 to index
        %get3A_46 = arith.index_cast %get3A_44 : i32 to index
        %get3A_47 = arith.constant 0 : index
        %get3A_48 = tpu.vector_load %arg5[%get3A_45, %get3A_46, %get3A_47] {strides = array<i32>} : memref<20x8x128xi32, #tpu.memory_space<vmem>>, vector<1x1x16xi32>,
        %get3A_49 = vector.shape_cast %get3A_48 : vector<1x1x16xi32> to vector<16xi32>
        %mul3A_50 = arith.constant 8 : i32
        %mul3A_51 = vector.broadcast %mul3A_50 : i32 to vector<16xi32>
        %mul3A_52 = arith.muli %get3A_49, %mul3A_51 : vector<16xi32>
        %swap3A_53 = arith.index_cast %add3A_31 : i32 to index
        %swap3A_54 = arith.constant 16 : index
        %swap3A_55 = tpu.vector_load %arg6[%swap3A_53, %swap3A_54] {strides = array<i32>} : memref<20x128xi32, #tpu.memory_space<vmem>>, vector<1x16xi32>,
        %swap3A_56 = vector.shape_cast %swap3A_55 : vector<1x16xi32> to vector<16xi32>
        %swap3A_57 = vector.shape_cast %mul3A_52 : vector<16xi32> to vector<1x16xi32>
        tpu.vector_store %arg6[%swap3A_53, %swap3A_54], %swap3A_57 {strides = array<i32>} : memref<20x128xi32, #tpu.memory_space<vmem>>, vector<1x16xi32>,
        %get3A_58 = arith.constant 2 : i32
        %get3A_59 = arith.index_cast %add3A_31 : i32 to index
        %get3A_60 = arith.index_cast %get3A_58 : i32 to index
        %get3A_61 = arith.constant 0 : index
        %get3A_62 = tpu.vector_load %arg5[%get3A_59, %get3A_60, %get3A_61] {strides = array<i32>} : memref<20x8x128xi32, #tpu.memory_space<vmem>>, vector<1x1x16xi32>,
        %get3A_63 = vector.shape_cast %get3A_62 : vector<1x1x16xi32> to vector<16xi32>
        %mul3A_64 = arith.constant 8 : i32
        %mul3A_65 = vector.broadcast %mul3A_64 : i32 to vector<16xi32>
        %mul3A_66 = arith.muli %get3A_63, %mul3A_65 : vector<16xi32>
        %swap3A_67 = arith.index_cast %add3A_31 : i32 to index
        %swap3A_68 = arith.constant 32 : index
        %swap3A_69 = tpu.vector_load %arg6[%swap3A_67, %swap3A_68] {strides = array<i32>} : memref<20x128xi32, #tpu.memory_space<vmem>>, vector<1x16xi32>,
        %swap3A_70 = vector.shape_cast %swap3A_69 : vector<1x16xi32> to vector<16xi32>
        %swap3A_71 = vector.shape_cast %mul3A_66 : vector<16xi32> to vector<1x16xi32>
        tpu.vector_store %arg6[%swap3A_67, %swap3A_68], %swap3A_71 {strides = array<i32>} : memref<20x128xi32, #tpu.memory_space<vmem>>, vector<1x16xi32>,
        %get3A_72 = arith.constant 3 : i32
        %get3A_73 = arith.index_cast %add3A_31 : i32 to index
        %get3A_74 = arith.index_cast %get3A_72 : i32 to index
        %get3A_75 = arith.constant 0 : index
        %get3A_76 = tpu.vector_load %arg5[%get3A_73, %get3A_74, %get3A_75] {strides = array<i32>} : memref<20x8x128xi32, #tpu.memory_space<vmem>>, vector<1x1x16xi32>,
        %get3A_77 = vector.shape_cast %get3A_76 : vector<1x1x16xi32> to vector<16xi32>
        %mul3A_78 = arith.constant 8 : i32
        %mul3A_79 = vector.broadcast %mul3A_78 : i32 to vector<16xi32>
        %mul3A_80 = arith.muli %get3A_77, %mul3A_79 : vector<16xi32>
        %swap3A_81 = arith.index_cast %add3A_31 : i32 to index
        %swap3A_82 = arith.constant 48 : index
        %swap3A_83 = tpu.vector_load %arg6[%swap3A_81, %swap3A_82] {strides = array<i32>} : memref<20x128xi32, #tpu.memory_space<vmem>>, vector<1x16xi32>,
        %swap3A_84 = vector.shape_cast %swap3A_83 : vector<1x16xi32> to vector<16xi32>
        %swap3A_85 = vector.shape_cast %mul3A_80 : vector<16xi32> to vector<1x16xi32>
        tpu.vector_store %arg6[%swap3A_81, %swap3A_82], %swap3A_85 {strides = array<i32>} : memref<20x128xi32, #tpu.memory_space<vmem>>, vector<1x16xi32>,
        %get3A_86 = arith.constant 4 : i32
        %get3A_87 = arith.index_cast %add3A_31 : i32 to index
        %get3A_88 = arith.index_cast %get3A_86 : i32 to index
        %get3A_89 = arith.constant 0 : index
        %get3A_90 = tpu.vector_load %arg5[%get3A_87, %get3A_88, %get3A_89] {strides = array<i32>} : memref<20x8x128xi32, #tpu.memory_space<vmem>>, vector<1x1x16xi32>,
        %get3A_91 = vector.shape_cast %get3A_90 : vector<1x1x16xi32> to vector<16xi32>
        %mul3A_92 = arith.constant 8 : i32
        %mul3A_93 = vector.broadcast %mul3A_92 : i32 to vector<16xi32>
        %mul3A_94 = arith.muli %get3A_91, %mul3A_93 : vector<16xi32>
        %swap3A_95 = arith.index_cast %add3A_31 : i32 to index
        %swap3A_96 = arith.constant 64 : index
        %swap3A_97 = tpu.vector_load %arg6[%swap3A_95, %swap3A_96] {strides = array<i32>} : memref<20x128xi32, #tpu.memory_space<vmem>>, vector<1x16xi32>,
        %swap3A_98 = vector.shape_cast %swap3A_97 : vector<1x16xi32> to vector<16xi32>
        %swap3A_99 = vector.shape_cast %mul3A_94 : vector<16xi32> to vector<1x16xi32>
        tpu.vector_store %arg6[%swap3A_95, %swap3A_96], %swap3A_99 {strides = array<i32>} : memref<20x128xi32, #tpu.memory_space<vmem>>, vector<1x16xi32>,
        %get3A_100 = arith.constant 5 : i32
        %get3A_101 = arith.index_cast %add3A_31 : i32 to index
        %get3A_102 = arith.index_cast %get3A_100 : i32 to index
        %get3A_103 = arith.constant 0 : index
        %get3A_104 = tpu.vector_load %arg5[%get3A_101, %get3A_102, %get3A_103] {strides = array<i32>} : memref<20x8x128xi32, #tpu.memory_space<vmem>>, vector<1x1x16xi32>,
        %get3A_105 = vector.shape_cast %get3A_104 : vector<1x1x16xi32> to vector<16xi32>
        %mul3A_106 = arith.constant 8 : i32
        %mul3A_107 = vector.broadcast %mul3A_106 : i32 to vector<16xi32>
        %mul3A_108 = arith.muli %get3A_105, %mul3A_107 : vector<16xi32>
        %swap3A_109 = arith.index_cast %add3A_31 : i32 to index
        %swap3A_110 = arith.constant 80 : index
        %swap3A_111 = tpu.vector_load %arg6[%swap3A_109, %swap3A_110] {strides = array<i32>} : memref<20x128xi32, #tpu.memory_space<vmem>>, vector<1x16xi32>,
        %swap3A_112 = vector.shape_cast %swap3A_111 : vector<1x16xi32> to vector<16xi32>
        %swap3A_113 = vector.shape_cast %mul3A_108 : vector<16xi32> to vector<1x16xi32>
        tpu.vector_store %arg6[%swap3A_109, %swap3A_110], %swap3A_113 {strides = array<i32>} : memref<20x128xi32, #tpu.memory_space<vmem>>, vector<1x16xi32>,
        %get3A_114 = arith.constant 6 : i32
        %get3A_115 = arith.index_cast %add3A_31 : i32 to index
        %get3A_116 = arith.index_cast %get3A_114 : i32 to index
        %get3A_117 = arith.constant 0 : index
        %get3A_118 = tpu.vector_load %arg5[%get3A_115, %get3A_116, %get3A_117] {strides = array<i32>} : memref<20x8x128xi32, #tpu.memory_space<vmem>>, vector<1x1x16xi32>,
        %get3A_119 = vector.shape_cast %get3A_118 : vector<1x1x16xi32> to vector<16xi32>
        %mul3A_120 = arith.constant 8 : i32
        %mul3A_121 = vector.broadcast %mul3A_120 : i32 to vector<16xi32>
        %mul3A_122 = arith.muli %get3A_119, %mul3A_121 : vector<16xi32>
        %swap3A_123 = arith.index_cast %add3A_31 : i32 to index
        %swap3A_124 = arith.constant 96 : index
        %swap3A_125 = tpu.vector_load %arg6[%swap3A_123, %swap3A_124] {strides = array<i32>} : memref<20x128xi32, #tpu.memory_space<vmem>>, vector<1x16xi32>,
        %swap3A_126 = vector.shape_cast %swap3A_125 : vector<1x16xi32> to vector<16xi32>
        %swap3A_127 = vector.shape_cast %mul3A_122 : vector<16xi32> to vector<1x16xi32>
        tpu.vector_store %arg6[%swap3A_123, %swap3A_124], %swap3A_127 {strides = array<i32>} : memref<20x128xi32, #tpu.memory_space<vmem>>, vector<1x16xi32>,
        %get3A_128 = arith.constant 7 : i32
        %get3A_129 = arith.index_cast %add3A_31 : i32 to index
        %get3A_130 = arith.index_cast %get3A_128 : i32 to index
        %get3A_131 = arith.constant 0 : index
        %get3A_132 = tpu.vector_load %arg5[%get3A_129, %get3A_130, %get3A_131] {strides = array<i32>} : memref<20x8x128xi32, #tpu.memory_space<vmem>>, vector<1x1x16xi32>,
        %get3A_133 = vector.shape_cast %get3A_132 : vector<1x1x16xi32> to vector<16xi32>
        %mul3A_134 = arith.constant 8 : i32
        %mul3A_135 = vector.broadcast %mul3A_134 : i32 to vector<16xi32>
        %mul3A_136 = arith.muli %get3A_133, %mul3A_135 : vector<16xi32>
        %swap3A_137 = arith.index_cast %add3A_31 : i32 to index
        %swap3A_138 = arith.constant 112 : index
        %swap3A_139 = tpu.vector_load %arg6[%swap3A_137, %swap3A_138] {strides = array<i32>} : memref<20x128xi32, #tpu.memory_space<vmem>>, vector<1x16xi32>,
        %swap3A_140 = vector.shape_cast %swap3A_139 : vector<1x16xi32> to vector<16xi32>
        %swap3A_141 = vector.shape_cast %mul3A_136 : vector<16xi32> to vector<1x16xi32>
        tpu.vector_store %arg6[%swap3A_137, %swap3A_138], %swap3A_141 {strides = array<i32>} : memref<20x128xi32, #tpu.memory_space<vmem>>, vector<1x16xi32>,
      }
      %scan3A_14 = arith.constant 20 : i32
      %scan3A_15 = arith.constant 0 : i32
      %scan3A_16 = arith.constant 20 : i32
      %scan3A_17 = arith.addi %scan3A_15, %scan3A_16 : i32
      %scan3A_18 = arith.constant 1 : i32
      scf.for %scan3A_27 = %scan3A_15 to %scan3A_17 step %scan3A_18  : i32 {
        %mul3A_28 = arith.constant 1 : i32
        %mul3A_29 = arith.muli %scan3A_27, %mul3A_28 : i32
        %add3A_30 = arith.constant 0 : i32
        %add3A_31 = arith.addi %add3A_30, %mul3A_29 : i32
        %mul3A_32 = arith.constant 128 : i32
        %mul3A_33 = arith.muli %add3A_31, %mul3A_32 : i32
        %dma_start3A = arith.constant 0 : i32
        %dma_start3A_34 = tpu.memref_slice %arg7[%mul3A_33, %dma_start3A] : memref<2560x16xf32, #tpu.memory_space<vmem>> -> memref<128x16xf32, #tpu.memory_space<vmem>>
        %dma_start3A_35 = arith.constant 0 : i32
        %dma_start3A_36 = tpu.memref_slice %arg6[%add3A_31, %dma_start3A_35] : memref<20x128xi32, #tpu.memory_space<vmem>> -> memref<1x128xi32, #tpu.memory_space<vmem>>
        %dma_start3A_37 = tpu.memref_squeeze %dma_start3A_36 : memref<1x128xi32, #tpu.memory_space<vmem>> -> memref<128xi32, #tpu.memory_space<vmem>>
        %dma_start3A_38 = arith.constant 0 : i32
        %dma_start3A_39 = arith.constant 0 : i32
        %dma_start3A_40 = tpu.memref_slice %arg2[%dma_start3A_38, %dma_start3A_39] : memref<80000x16xf32, #tpu.memory_space<hbm>> -> memref<80000x16xf32, #tpu.memory_space<hbm>>
        tpu.enqueue_indirect_dma source(%dma_start3A_40 : memref<80000x16xf32, #tpu.memory_space<hbm>>) target(%dma_start3A_34 : memref<128x16xf32, #tpu.memory_space<vmem>>) offsets(%dma_start3A_37 : memref<128xi32, #tpu.memory_space<vmem>>) semaphore(%arg8 : memref<!tpu.dma_semaphore, #tpu.memory_space<semaphore_mem>>)
      }
      %scan3A_19 = arith.constant 20 : i32
      %scan3A_20 = arith.constant 0 : i32
      %scan3A_21 = arith.constant 20 : i32
      %scan3A_22 = arith.addi %scan3A_20, %scan3A_21 : i32
      %scan3A_23 = arith.constant 1 : i32
      scf.for %scan3A_27 = %scan3A_20 to %scan3A_22 step %scan3A_23  : i32 {
        %mul3A_28 = arith.constant 1 : i32
        %mul3A_29 = arith.muli %scan3A_27, %mul3A_28 : i32
        %add3A_30 = arith.constant 0 : i32
        %add3A_31 = arith.addi %add3A_30, %mul3A_29 : i32
        %mul3A_32 = arith.constant 128 : i32
        %mul3A_33 = arith.muli %add3A_31, %mul3A_32 : i32
        %dma_wait3A = arith.constant 0 : i32
        %dma_wait3A_34 = tpu.memref_slice %arg7[%mul3A_33, %dma_wait3A] : memref<2560x16xf32, #tpu.memory_space<vmem>> -> memref<128x16xf32, #tpu.memory_space<vmem>>
        %dma_wait3A_35 = arith.constant 0 : i32
        %dma_wait3A_36 = tpu.memref_slice %arg6[%add3A_31, %dma_wait3A_35] : memref<20x128xi32, #tpu.memory_space<vmem>> -> memref<1x128xi32, #tpu.memory_space<vmem>>
        %dma_wait3A_37 = tpu.memref_squeeze %dma_wait3A_36 : memref<1x128xi32, #tpu.memory_space<vmem>> -> memref<128xi32, #tpu.memory_space<vmem>>
        %dma_wait3A_38 = arith.constant 0 : i32
        %dma_wait3A_39 = arith.constant 0 : i32
        %dma_wait3A_40 = tpu.memref_slice %arg2[%dma_wait3A_38, %dma_wait3A_39] : memref<80000x16xf32, #tpu.memory_space<hbm>> -> memref<80000x16xf32, #tpu.memory_space<hbm>>
        tpu.wait_indirect_dma semaphore(%arg8 : memref<!tpu.dma_semaphore, #tpu.memory_space<semaphore_mem>>) src(%dma_wait3A_40 : memref<80000x16xf32, #tpu.memory_space<hbm>>) dst(%dma_wait3A_34 : memref<128x16xf32, #tpu.memory_space<vmem>>)
      }
      %scan3A_24 = arith.constant 20 : i32
      %mul3A_25 = arith.constant 2560 : i32
      %mul3A_26 = arith.muli %add3A, %mul3A_25 : i32
      "tpu.region"() ({
        %run_scoped3A = tpu.sem_alloc : memref<!tpu.dma_semaphore, #tpu.memory_space<semaphore_mem>>
        %dma_start3A = arith.constant 0 : i32
        %dma_start3A_27 = arith.constant 0 : i32
        %dma_start3A_28 = tpu.memref_slice %arg7[%dma_start3A, %dma_start3A_27] : memref<2560x16xf32, #tpu.memory_space<vmem>> -> memref<2560x16xf32, #tpu.memory_space<vmem>>
        %dma_start3A_29 = arith.constant 0 : i32
        %dma_start3A_30 = tpu.memref_slice %arg4[%mul3A_26, %dma_start3A_29] : memref<80000x16xf32, #tpu.memory_space<hbm>> -> memref<2560x16xf32, #tpu.memory_space<hbm>>
        %dma_start3A_31 = arith.constant 0 : i32
        %dma_start3A_32 = tpu.memref_slice %arg4[%mul3A_26, %dma_start3A_31] : memref<80000x16xf32, #tpu.memory_space<hbm>> -> memref<2560x16xf32, #tpu.memory_space<hbm>>
        %dma_start3A_33 = arith.constant 0 : i32
        %dma_start3A_34 = arith.constant 0 : i32
        %dma_start3A_35 = tpu.memref_slice %arg7[%dma_start3A_33, %dma_start3A_34] : memref<2560x16xf32, #tpu.memory_space<vmem>> -> memref<2560x16xf32, #tpu.memory_space<vmem>>
        tpu.enqueue_dma source(%dma_start3A_35 : memref<2560x16xf32, #tpu.memory_space<vmem>>) target(%dma_start3A_32 : memref<2560x16xf32, #tpu.memory_space<hbm>>) target_semaphore(%run_scoped3A : memref<!tpu.dma_semaphore, #tpu.memory_space<semaphore_mem>>)
        %dma_wait3A = arith.constant 0 : i32
        %dma_wait3A_36 = arith.constant 0 : i32
        %dma_wait3A_37 = tpu.memref_slice %arg7[%dma_wait3A, %dma_wait3A_36] : memref<2560x16xf32, #tpu.memory_space<vmem>> -> memref<2560x16xf32, #tpu.memory_space<vmem>>
        %dma_wait3A_38 = arith.constant 0 : i32
        %dma_wait3A_39 = tpu.memref_slice %arg4[%mul3A_26, %dma_wait3A_38] : memref<80000x16xf32, #tpu.memory_space<hbm>> -> memref<2560x16xf32, #tpu.memory_space<hbm>>
        %dma_wait3A_40 = arith.constant 0 : i32
        %dma_wait3A_41 = tpu.memref_slice %arg4[%mul3A_26, %dma_wait3A_40] : memref<80000x16xf32, #tpu.memory_space<hbm>> -> memref<2560x16xf32, #tpu.memory_space<hbm>>
        %dma_wait3A_42 = arith.constant 0 : i32
        %dma_wait3A_43 = arith.constant 0 : i32
        %dma_wait3A_44 = tpu.memref_slice %arg7[%dma_wait3A_42, %dma_wait3A_43] : memref<2560x16xf32, #tpu.memory_space<vmem>> -> memref<2560x16xf32, #tpu.memory_space<vmem>>
        tpu.wait_dma2 semaphore(%run_scoped3A : memref<!tpu.dma_semaphore, #tpu.memory_space<semaphore_mem>>) src(%dma_wait3A_44 : memref<2560x16xf32, #tpu.memory_space<vmem>>) dst(%dma_wait3A_41 : memref<2560x16xf32, #tpu.memory_space<hbm>>)
        tpu.yield
      }) : () -> ()
    } else {
    }
    %eq3A = arith.constant 31 : i32
    %eq3A_3 = arith.cmpi eq, %add3A, %eq3A : i32
    %convert_element_type3A_4 = arith.extui %eq3A_3 : i1 to i32
    %cond3A_5 = arith.constant 0 : i32
    %cond3A_6 = arith.cmpi ne, %convert_element_type3A_4, %cond3A_5 : i32
    scf.if %cond3A_6 {
      %mul3A_7 = arith.constant 20 : i32
      %mul3A_8 = arith.muli %add3A, %mul3A_7 : i32
      %add3A_9 = arith.constant 625 : i32
      %add3A_10 = arith.addi %add3A_9, %mul3A_8 : i32
      "tpu.region"() ({
        %run_scoped3A = tpu.sem_alloc : memref<!tpu.dma_semaphore, #tpu.memory_space<semaphore_mem>>
        %dma_start3A = arith.constant 0 : i32
        %dma_start3A_27 = arith.constant 0 : i32
        %dma_start3A_28 = arith.constant 0 : i32
        %dma_start3A_29 = tpu.memref_slice %arg5[%dma_start3A, %dma_start3A_27, %dma_start3A_28] : memref<20x8x128xi32, #tpu.memory_space<vmem>> -> memref<5x8x128xi32, #tpu.memory_space<vmem>>
        %dma_start3A_30 = arith.constant 0 : i32
        %dma_start3A_31 = arith.constant 0 : i32
        %dma_start3A_32 = tpu.memref_slice %arg3[%add3A_10, %dma_start3A_30, %dma_start3A_31] : memref<1250x8x128xi32, #tpu.memory_space<hbm>> -> memref<5x8x128xi32, #tpu.memory_space<hbm>>
        %dma_start3A_33 = arith.constant 0 : i32
        %dma_start3A_34 = arith.constant 0 : i32
        %dma_start3A_35 = arith.constant 0 : i32
        %dma_start3A_36 = tpu.memref_slice %arg5[%dma_start3A_33, %dma_start3A_34, %dma_start3A_35] : memref<20x8x128xi32, #tpu.memory_space<vmem>> -> memref<5x8x128xi32, #tpu.memory_space<vmem>>
        %dma_start3A_37 = arith.constant 0 : i32
        %dma_start3A_38 = arith.constant 0 : i32
        %dma_start3A_39 = tpu.memref_slice %arg3[%add3A_10, %dma_start3A_37, %dma_start3A_38] : memref<1250x8x128xi32, #tpu.memory_space<hbm>> -> memref<5x8x128xi32, #tpu.memory_space<hbm>>
        tpu.enqueue_dma source(%dma_start3A_39 : memref<5x8x128xi32, #tpu.memory_space<hbm>>) target(%dma_start3A_36 : memref<5x8x128xi32, #tpu.memory_space<vmem>>) target_semaphore(%run_scoped3A : memref<!tpu.dma_semaphore, #tpu.memory_space<semaphore_mem>>)
        %dma_wait3A = arith.constant 0 : i32
        %dma_wait3A_40 = arith.constant 0 : i32
        %dma_wait3A_41 = arith.constant 0 : i32
        %dma_wait3A_42 = tpu.memref_slice %arg5[%dma_wait3A, %dma_wait3A_40, %dma_wait3A_41] : memref<20x8x128xi32, #tpu.memory_space<vmem>> -> memref<5x8x128xi32, #tpu.memory_space<vmem>>
        %dma_wait3A_43 = arith.constant 0 : i32
        %dma_wait3A_44 = arith.constant 0 : i32
        %dma_wait3A_45 = tpu.memref_slice %arg3[%add3A_10, %dma_wait3A_43, %dma_wait3A_44] : memref<1250x8x128xi32, #tpu.memory_space<hbm>> -> memref<5x8x128xi32, #tpu.memory_space<hbm>>
        %dma_wait3A_46 = arith.constant 0 : i32
        %dma_wait3A_47 = arith.constant 0 : i32
        %dma_wait3A_48 = arith.constant 0 : i32
        %dma_wait3A_49 = tpu.memref_slice %arg5[%dma_wait3A_46, %dma_wait3A_47, %dma_wait3A_48] : memref<20x8x128xi32, #tpu.memory_space<vmem>> -> memref<5x8x128xi32, #tpu.memory_space<vmem>>
        %dma_wait3A_50 = arith.constant 0 : i32
        %dma_wait3A_51 = arith.constant 0 : i32
        %dma_wait3A_52 = tpu.memref_slice %arg3[%add3A_10, %dma_wait3A_50, %dma_wait3A_51] : memref<1250x8x128xi32, #tpu.memory_space<hbm>> -> memref<5x8x128xi32, #tpu.memory_space<hbm>>
        tpu.wait_dma2 semaphore(%run_scoped3A : memref<!tpu.dma_semaphore, #tpu.memory_space<semaphore_mem>>) src(%dma_wait3A_52 : memref<5x8x128xi32, #tpu.memory_space<hbm>>) dst(%dma_wait3A_49 : memref<5x8x128xi32, #tpu.memory_space<vmem>>)
        tpu.yield
      }) : () -> ()
      %scan3A = arith.constant 0 : i32
      %scan3A_11 = arith.constant 5 : i32
      %scan3A_12 = arith.addi %scan3A, %scan3A_11 : i32
      %scan3A_13 = arith.constant 1 : i32
      scf.for %scan3A_27 = %scan3A to %scan3A_12 step %scan3A_13  : i32 {
        %mul3A_28 = arith.constant 1 : i32
        %mul3A_29 = arith.muli %scan3A_27, %mul3A_28 : i32
        %add3A_30 = arith.constant 0 : i32
        %add3A_31 = arith.addi %add3A_30, %mul3A_29 : i32
        %get3A = arith.constant 0 : i32
        %get3A_32 = arith.index_cast %add3A_31 : i32 to index
        %get3A_33 = arith.index_cast %get3A : i32 to index
        %get3A_34 = arith.constant 0 : index
        %get3A_35 = tpu.vector_load %arg5[%get3A_32, %get3A_33, %get3A_34] {strides = array<i32>} : memref<20x8x128xi32, #tpu.memory_space<vmem>>, vector<1x1x16xi32>,
        %get3A_36 = vector.shape_cast %get3A_35 : vector<1x1x16xi32> to vector<16xi32>
        %mul3A_37 = arith.constant 8 : i32
        %mul3A_38 = vector.broadcast %mul3A_37 : i32 to vector<16xi32>
        %mul3A_39 = arith.muli %get3A_36, %mul3A_38 : vector<16xi32>
        %swap3A = arith.index_cast %add3A_31 : i32 to index
        %swap3A_40 = arith.constant 0 : index
        %swap3A_41 = tpu.vector_load %arg6[%swap3A, %swap3A_40] {strides = array<i32>} : memref<20x128xi32, #tpu.memory_space<vmem>>, vector<1x16xi32>,
        %swap3A_42 = vector.shape_cast %swap3A_41 : vector<1x16xi32> to vector<16xi32>
        %swap3A_43 = vector.shape_cast %mul3A_39 : vector<16xi32> to vector<1x16xi32>
        tpu.vector_store %arg6[%swap3A, %swap3A_40], %swap3A_43 {strides = array<i32>} : memref<20x128xi32, #tpu.memory_space<vmem>>, vector<1x16xi32>,
        %get3A_44 = arith.constant 1 : i32
        %get3A_45 = arith.index_cast %add3A_31 : i32 to index
        %get3A_46 = arith.index_cast %get3A_44 : i32 to index
        %get3A_47 = arith.constant 0 : index
        %get3A_48 = tpu.vector_load %arg5[%get3A_45, %get3A_46, %get3A_47] {strides = array<i32>} : memref<20x8x128xi32, #tpu.memory_space<vmem>>, vector<1x1x16xi32>,
        %get3A_49 = vector.shape_cast %get3A_48 : vector<1x1x16xi32> to vector<16xi32>
        %mul3A_50 = arith.constant 8 : i32
        %mul3A_51 = vector.broadcast %mul3A_50 : i32 to vector<16xi32>
        %mul3A_52 = arith.muli %get3A_49, %mul3A_51 : vector<16xi32>
        %swap3A_53 = arith.index_cast %add3A_31 : i32 to index
        %swap3A_54 = arith.constant 16 : index
        %swap3A_55 = tpu.vector_load %arg6[%swap3A_53, %swap3A_54] {strides = array<i32>} : memref<20x128xi32, #tpu.memory_space<vmem>>, vector<1x16xi32>,
        %swap3A_56 = vector.shape_cast %swap3A_55 : vector<1x16xi32> to vector<16xi32>
        %swap3A_57 = vector.shape_cast %mul3A_52 : vector<16xi32> to vector<1x16xi32>
        tpu.vector_store %arg6[%swap3A_53, %swap3A_54], %swap3A_57 {strides = array<i32>} : memref<20x128xi32, #tpu.memory_space<vmem>>, vector<1x16xi32>,
        %get3A_58 = arith.constant 2 : i32
        %get3A_59 = arith.index_cast %add3A_31 : i32 to index
        %get3A_60 = arith.index_cast %get3A_58 : i32 to index
        %get3A_61 = arith.constant 0 : index
        %get3A_62 = tpu.vector_load %arg5[%get3A_59, %get3A_60, %get3A_61] {strides = array<i32>} : memref<20x8x128xi32, #tpu.memory_space<vmem>>, vector<1x1x16xi32>,
        %get3A_63 = vector.shape_cast %get3A_62 : vector<1x1x16xi32> to vector<16xi32>
        %mul3A_64 = arith.constant 8 : i32
        %mul3A_65 = vector.broadcast %mul3A_64 : i32 to vector<16xi32>
        %mul3A_66 = arith.muli %get3A_63, %mul3A_65 : vector<16xi32>
        %swap3A_67 = arith.index_cast %add3A_31 : i32 to index
        %swap3A_68 = arith.constant 32 : index
        %swap3A_69 = tpu.vector_load %arg6[%swap3A_67, %swap3A_68] {strides = array<i32>} : memref<20x128xi32, #tpu.memory_space<vmem>>, vector<1x16xi32>,
        %swap3A_70 = vector.shape_cast %swap3A_69 : vector<1x16xi32> to vector<16xi32>
        %swap3A_71 = vector.shape_cast %mul3A_66 : vector<16xi32> to vector<1x16xi32>
        tpu.vector_store %arg6[%swap3A_67, %swap3A_68], %swap3A_71 {strides = array<i32>} : memref<20x128xi32, #tpu.memory_space<vmem>>, vector<1x16xi32>,
        %get3A_72 = arith.constant 3 : i32
        %get3A_73 = arith.index_cast %add3A_31 : i32 to index
        %get3A_74 = arith.index_cast %get3A_72 : i32 to index
        %get3A_75 = arith.constant 0 : index
        %get3A_76 = tpu.vector_load %arg5[%get3A_73, %get3A_74, %get3A_75] {strides = array<i32>} : memref<20x8x128xi32, #tpu.memory_space<vmem>>, vector<1x1x16xi32>,
        %get3A_77 = vector.shape_cast %get3A_76 : vector<1x1x16xi32> to vector<16xi32>
        %mul3A_78 = arith.constant 8 : i32
        %mul3A_79 = vector.broadcast %mul3A_78 : i32 to vector<16xi32>
        %mul3A_80 = arith.muli %get3A_77, %mul3A_79 : vector<16xi32>
        %swap3A_81 = arith.index_cast %add3A_31 : i32 to index
        %swap3A_82 = arith.constant 48 : index
        %swap3A_83 = tpu.vector_load %arg6[%swap3A_81, %swap3A_82] {strides = array<i32>} : memref<20x128xi32, #tpu.memory_space<vmem>>, vector<1x16xi32>,
        %swap3A_84 = vector.shape_cast %swap3A_83 : vector<1x16xi32> to vector<16xi32>
        %swap3A_85 = vector.shape_cast %mul3A_80 : vector<16xi32> to vector<1x16xi32>
        tpu.vector_store %arg6[%swap3A_81, %swap3A_82], %swap3A_85 {strides = array<i32>} : memref<20x128xi32, #tpu.memory_space<vmem>>, vector<1x16xi32>,
        %get3A_86 = arith.constant 4 : i32
        %get3A_87 = arith.index_cast %add3A_31 : i32 to index
        %get3A_88 = arith.index_cast %get3A_86 : i32 to index
        %get3A_89 = arith.constant 0 : index
        %get3A_90 = tpu.vector_load %arg5[%get3A_87, %get3A_88, %get3A_89] {strides = array<i32>} : memref<20x8x128xi32, #tpu.memory_space<vmem>>, vector<1x1x16xi32>,
        %get3A_91 = vector.shape_cast %get3A_90 : vector<1x1x16xi32> to vector<16xi32>
        %mul3A_92 = arith.constant 8 : i32
        %mul3A_93 = vector.broadcast %mul3A_92 : i32 to vector<16xi32>
        %mul3A_94 = arith.muli %get3A_91, %mul3A_93 : vector<16xi32>
        %swap3A_95 = arith.index_cast %add3A_31 : i32 to index
        %swap3A_96 = arith.constant 64 : index
        %swap3A_97 = tpu.vector_load %arg6[%swap3A_95, %swap3A_96] {strides = array<i32>} : memref<20x128xi32, #tpu.memory_space<vmem>>, vector<1x16xi32>,
        %swap3A_98 = vector.shape_cast %swap3A_97 : vector<1x16xi32> to vector<16xi32>
        %swap3A_99 = vector.shape_cast %mul3A_94 : vector<16xi32> to vector<1x16xi32>
        tpu.vector_store %arg6[%swap3A_95, %swap3A_96], %swap3A_99 {strides = array<i32>} : memref<20x128xi32, #tpu.memory_space<vmem>>, vector<1x16xi32>,
        %get3A_100 = arith.constant 5 : i32
        %get3A_101 = arith.index_cast %add3A_31 : i32 to index
        %get3A_102 = arith.index_cast %get3A_100 : i32 to index
        %get3A_103 = arith.constant 0 : index
        %get3A_104 = tpu.vector_load %arg5[%get3A_101, %get3A_102, %get3A_103] {strides = array<i32>} : memref<20x8x128xi32, #tpu.memory_space<vmem>>, vector<1x1x16xi32>,
        %get3A_105 = vector.shape_cast %get3A_104 : vector<1x1x16xi32> to vector<16xi32>
        %mul3A_106 = arith.constant 8 : i32
        %mul3A_107 = vector.broadcast %mul3A_106 : i32 to vector<16xi32>
        %mul3A_108 = arith.muli %get3A_105, %mul3A_107 : vector<16xi32>
        %swap3A_109 = arith.index_cast %add3A_31 : i32 to index
        %swap3A_110 = arith.constant 80 : index
        %swap3A_111 = tpu.vector_load %arg6[%swap3A_109, %swap3A_110] {strides = array<i32>} : memref<20x128xi32, #tpu.memory_space<vmem>>, vector<1x16xi32>,
        %swap3A_112 = vector.shape_cast %swap3A_111 : vector<1x16xi32> to vector<16xi32>
        %swap3A_113 = vector.shape_cast %mul3A_108 : vector<16xi32> to vector<1x16xi32>
        tpu.vector_store %arg6[%swap3A_109, %swap3A_110], %swap3A_113 {strides = array<i32>} : memref<20x128xi32, #tpu.memory_space<vmem>>, vector<1x16xi32>,
        %get3A_114 = arith.constant 6 : i32
        %get3A_115 = arith.index_cast %add3A_31 : i32 to index
        %get3A_116 = arith.index_cast %get3A_114 : i32 to index
        %get3A_117 = arith.constant 0 : index
        %get3A_118 = tpu.vector_load %arg5[%get3A_115, %get3A_116, %get3A_117] {strides = array<i32>} : memref<20x8x128xi32, #tpu.memory_space<vmem>>, vector<1x1x16xi32>,
        %get3A_119 = vector.shape_cast %get3A_118 : vector<1x1x16xi32> to vector<16xi32>
        %mul3A_120 = arith.constant 8 : i32
        %mul3A_121 = vector.broadcast %mul3A_120 : i32 to vector<16xi32>
        %mul3A_122 = arith.muli %get3A_119, %mul3A_121 : vector<16xi32>
        %swap3A_123 = arith.index_cast %add3A_31 : i32 to index
        %swap3A_124 = arith.constant 96 : index
        %swap3A_125 = tpu.vector_load %arg6[%swap3A_123, %swap3A_124] {strides = array<i32>} : memref<20x128xi32, #tpu.memory_space<vmem>>, vector<1x16xi32>,
        %swap3A_126 = vector.shape_cast %swap3A_125 : vector<1x16xi32> to vector<16xi32>
        %swap3A_127 = vector.shape_cast %mul3A_122 : vector<16xi32> to vector<1x16xi32>
        tpu.vector_store %arg6[%swap3A_123, %swap3A_124], %swap3A_127 {strides = array<i32>} : memref<20x128xi32, #tpu.memory_space<vmem>>, vector<1x16xi32>,
        %get3A_128 = arith.constant 7 : i32
        %get3A_129 = arith.index_cast %add3A_31 : i32 to index
        %get3A_130 = arith.index_cast %get3A_128 : i32 to index
        %get3A_131 = arith.constant 0 : index
        %get3A_132 = tpu.vector_load %arg5[%get3A_129, %get3A_130, %get3A_131] {strides = array<i32>} : memref<20x8x128xi32, #tpu.memory_space<vmem>>, vector<1x1x16xi32>,
        %get3A_133 = vector.shape_cast %get3A_132 : vector<1x1x16xi32> to vector<16xi32>
        %mul3A_134 = arith.constant 8 : i32
        %mul3A_135 = vector.broadcast %mul3A_134 : i32 to vector<16xi32>
        %mul3A_136 = arith.muli %get3A_133, %mul3A_135 : vector<16xi32>
        %swap3A_137 = arith.index_cast %add3A_31 : i32 to index
        %swap3A_138 = arith.constant 112 : index
        %swap3A_139 = tpu.vector_load %arg6[%swap3A_137, %swap3A_138] {strides = array<i32>} : memref<20x128xi32, #tpu.memory_space<vmem>>, vector<1x16xi32>,
        %swap3A_140 = vector.shape_cast %swap3A_139 : vector<1x16xi32> to vector<16xi32>
        %swap3A_141 = vector.shape_cast %mul3A_136 : vector<16xi32> to vector<1x16xi32>
        tpu.vector_store %arg6[%swap3A_137, %swap3A_138], %swap3A_141 {strides = array<i32>} : memref<20x128xi32, #tpu.memory_space<vmem>>, vector<1x16xi32>,
      }
      %scan3A_14 = arith.constant 5 : i32
      %scan3A_15 = arith.constant 0 : i32
      %scan3A_16 = arith.constant 5 : i32
      %scan3A_17 = arith.addi %scan3A_15, %scan3A_16 : i32
      %scan3A_18 = arith.constant 1 : i32
      scf.for %scan3A_27 = %scan3A_15 to %scan3A_17 step %scan3A_18  : i32 {
        %mul3A_28 = arith.constant 1 : i32
        %mul3A_29 = arith.muli %scan3A_27, %mul3A_28 : i32
        %add3A_30 = arith.constant 0 : i32
        %add3A_31 = arith.addi %add3A_30, %mul3A_29 : i32
        %mul3A_32 = arith.constant 128 : i32
        %mul3A_33 = arith.muli %add3A_31, %mul3A_32 : i32
        %dma_start3A = arith.constant 0 : i32
        %dma_start3A_34 = tpu.memref_slice %arg7[%mul3A_33, %dma_start3A] : memref<2560x16xf32, #tpu.memory_space<vmem>> -> memref<128x16xf32, #tpu.memory_space<vmem>>
        %dma_start3A_35 = arith.constant 0 : i32
        %dma_start3A_36 = tpu.memref_slice %arg6[%add3A_31, %dma_start3A_35] : memref<20x128xi32, #tpu.memory_space<vmem>> -> memref<1x128xi32, #tpu.memory_space<vmem>>
        %dma_start3A_37 = tpu.memref_squeeze %dma_start3A_36 : memref<1x128xi32, #tpu.memory_space<vmem>> -> memref<128xi32, #tpu.memory_space<vmem>>
        %dma_start3A_38 = arith.constant 0 : i32
        %dma_start3A_39 = arith.constant 0 : i32
        %dma_start3A_40 = tpu.memref_slice %arg2[%dma_start3A_38, %dma_start3A_39] : memref<80000x16xf32, #tpu.memory_space<hbm>> -> memref<80000x16xf32, #tpu.memory_space<hbm>>
        tpu.enqueue_indirect_dma source(%dma_start3A_40 : memref<80000x16xf32, #tpu.memory_space<hbm>>) target(%dma_start3A_34 : memref<128x16xf32, #tpu.memory_space<vmem>>) offsets(%dma_start3A_37 : memref<128xi32, #tpu.memory_space<vmem>>) semaphore(%arg8 : memref<!tpu.dma_semaphore, #tpu.memory_space<semaphore_mem>>)
      }
      %scan3A_19 = arith.constant 5 : i32
      %scan3A_20 = arith.constant 0 : i32
      %scan3A_21 = arith.constant 5 : i32
      %scan3A_22 = arith.addi %scan3A_20, %scan3A_21 : i32
      %scan3A_23 = arith.constant 1 : i32
      scf.for %scan3A_27 = %scan3A_20 to %scan3A_22 step %scan3A_23  : i32 {
        %mul3A_28 = arith.constant 1 : i32
        %mul3A_29 = arith.muli %scan3A_27, %mul3A_28 : i32
        %add3A_30 = arith.constant 0 : i32
        %add3A_31 = arith.addi %add3A_30, %mul3A_29 : i32
        %mul3A_32 = arith.constant 128 : i32
        %mul3A_33 = arith.muli %add3A_31, %mul3A_32 : i32
        %dma_wait3A = arith.constant 0 : i32
        %dma_wait3A_34 = tpu.memref_slice %arg7[%mul3A_33, %dma_wait3A] : memref<2560x16xf32, #tpu.memory_space<vmem>> -> memref<128x16xf32, #tpu.memory_space<vmem>>
        %dma_wait3A_35 = arith.constant 0 : i32
        %dma_wait3A_36 = tpu.memref_slice %arg6[%add3A_31, %dma_wait3A_35] : memref<20x128xi32, #tpu.memory_space<vmem>> -> memref<1x128xi32, #tpu.memory_space<vmem>>
        %dma_wait3A_37 = tpu.memref_squeeze %dma_wait3A_36 : memref<1x128xi32, #tpu.memory_space<vmem>> -> memref<128xi32, #tpu.memory_space<vmem>>
        %dma_wait3A_38 = arith.constant 0 : i32
        %dma_wait3A_39 = arith.constant 0 : i32
        %dma_wait3A_40 = tpu.memref_slice %arg2[%dma_wait3A_38, %dma_wait3A_39] : memref<80000x16xf32, #tpu.memory_space<hbm>> -> memref<80000x16xf32, #tpu.memory_space<hbm>>
        tpu.wait_indirect_dma semaphore(%arg8 : memref<!tpu.dma_semaphore, #tpu.memory_space<semaphore_mem>>) src(%dma_wait3A_40 : memref<80000x16xf32, #tpu.memory_space<hbm>>) dst(%dma_wait3A_34 : memref<128x16xf32, #tpu.memory_space<vmem>>)
      }
      %scan3A_24 = arith.constant 5 : i32
      %mul3A_25 = arith.constant 2560 : i32
      %mul3A_26 = arith.muli %add3A, %mul3A_25 : i32
      "tpu.region"() ({
        %run_scoped3A = tpu.sem_alloc : memref<!tpu.dma_semaphore, #tpu.memory_space<semaphore_mem>>
        %dma_start3A = arith.constant 0 : i32
        %dma_start3A_27 = arith.constant 0 : i32
        %dma_start3A_28 = tpu.memref_slice %arg7[%dma_start3A, %dma_start3A_27] : memref<2560x16xf32, #tpu.memory_space<vmem>> -> memref<640x16xf32, #tpu.memory_space<vmem>>
        %dma_start3A_29 = arith.constant 0 : i32
        %dma_start3A_30 = tpu.memref_slice %arg4[%mul3A_26, %dma_start3A_29] : memref<80000x16xf32, #tpu.memory_space<hbm>> -> memref<640x16xf32, #tpu.memory_space<hbm>>
        %dma_start3A_31 = arith.constant 0 : i32
        %dma_start3A_32 = tpu.memref_slice %arg4[%mul3A_26, %dma_start3A_31] : memref<80000x16xf32, #tpu.memory_space<hbm>> -> memref<640x16xf32, #tpu.memory_space<hbm>>
        %dma_start3A_33 = arith.constant 0 : i32
        %dma_start3A_34 = arith.constant 0 : i32
        %dma_start3A_35 = tpu.memref_slice %arg7[%dma_start3A_33, %dma_start3A_34] : memref<2560x16xf32, #tpu.memory_space<vmem>> -> memref<640x16xf32, #tpu.memory_space<vmem>>
        tpu.enqueue_dma source(%dma_start3A_35 : memref<640x16xf32, #tpu.memory_space<vmem>>) target(%dma_start3A_32 : memref<640x16xf32, #tpu.memory_space<hbm>>) target_semaphore(%run_scoped3A : memref<!tpu.dma_semaphore, #tpu.memory_space<semaphore_mem>>)
        %dma_wait3A = arith.constant 0 : i32
        %dma_wait3A_36 = arith.constant 0 : i32
        %dma_wait3A_37 = tpu.memref_slice %arg7[%dma_wait3A, %dma_wait3A_36] : memref<2560x16xf32, #tpu.memory_space<vmem>> -> memref<640x16xf32, #tpu.memory_space<vmem>>
        %dma_wait3A_38 = arith.constant 0 : i32
        %dma_wait3A_39 = tpu.memref_slice %arg4[%mul3A_26, %dma_wait3A_38] : memref<80000x16xf32, #tpu.memory_space<hbm>> -> memref<640x16xf32, #tpu.memory_space<hbm>>
        %dma_wait3A_40 = arith.constant 0 : i32
        %dma_wait3A_41 = tpu.memref_slice %arg4[%mul3A_26, %dma_wait3A_40] : memref<80000x16xf32, #tpu.memory_space<hbm>> -> memref<640x16xf32, #tpu.memory_space<hbm>>
        %dma_wait3A_42 = arith.constant 0 : i32
        %dma_wait3A_43 = arith.constant 0 : i32
        %dma_wait3A_44 = tpu.memref_slice %arg7[%dma_wait3A_42, %dma_wait3A_43] : memref<2560x16xf32, #tpu.memory_space<vmem>> -> memref<640x16xf32, #tpu.memory_space<vmem>>
        tpu.wait_dma2 semaphore(%run_scoped3A : memref<!tpu.dma_semaphore, #tpu.memory_space<semaphore_mem>>) src(%dma_wait3A_44 : memref<640x16xf32, #tpu.memory_space<vmem>>) dst(%dma_wait3A_41 : memref<640x16xf32, #tpu.memory_space<hbm>>)
        tpu.yield
      }) : () -> ()
    } else {
    }
    return
  }
}

module attributes {stable_mosaic.version = 14 : i64} {
  func.func @_featurize_body(%arg0: i32, %arg1: memref<200x128xf32, #tpu.memory_space<vmem>>, %arg2: memref<400x128xf32, #tpu.memory_space<vmem>>, %arg3: memref<8x128xf32, #tpu.memory_space<vmem>>, %arg4: memref<144x256xf32, #tpu.memory_space<vmem>>, %arg5: memref<192x128xf32, #tpu.memory_space<vmem>>, %arg6: memref<3200x128xf32, #tpu.memory_space<vmem>>) attributes {dimension_semantics = [#tpu.dimension_semantics<arbitrary>], iteration_bounds = array<i64: 25>, scalar_prefetch = 0 : i64, scratch_operands = 0 : i64, tpu.core_type = #tpu.core_type<tc>, window_params = [{transform_indices = @transform_0, window_bounds = array<i64: 200, 128>}, {transform_indices = @transform_1, window_bounds = array<i64: 400, 128>}, {pipeline_mode = #tpu.pipeline_mode<synchronous>, transform_indices = @transform_2, window_bounds = array<i64: 8, 128>}, {pipeline_mode = #tpu.pipeline_mode<synchronous>, transform_indices = @transform_3, window_bounds = array<i64: 144, 256>}, {pipeline_mode = #tpu.pipeline_mode<synchronous>, transform_indices = @transform_4, window_bounds = array<i64: 192, 128>}, {transform_indices = @transform_5, window_bounds = array<i64: 3200, 128>}]} {
    %get3A = arith.constant 0 : index
    %get3A_0 = arith.constant 0 : index
    %get3A_1 = vector.load %arg1[%get3A, %get3A_0] : memref<200x128xf32, #tpu.memory_space<vmem>>, vector<200x16xf32>
    %get3A_2 = arith.constant 0 : index
    %get3A_3 = arith.constant 0 : index
    %get3A_4 = vector.load %arg2[%get3A_2, %get3A_3] : memref<400x128xf32, #tpu.memory_space<vmem>>, vector<400x128xf32>
    %broadcast_in_dim3A = vector.shape_cast %get3A_4 : vector<400x128xf32> to vector<400x1x128xf32>
    %broadcast_in_dim3A_5 = vector.shape_cast %broadcast_in_dim3A : vector<400x1x128xf32> to vector<400x1x128xf32>
    %broadcast_in_dim3A_6 = vector.broadcast %broadcast_in_dim3A_5 : vector<400x1x128xf32> to vector<400x8x128xf32>
    %reshape3A = vector.shape_cast %broadcast_in_dim3A_6 : vector<400x8x128xf32> to vector<3200x128xf32>
    %get3A_7 = arith.constant 0 : index
    %get3A_8 = arith.constant 0 : index
    %get3A_9 = vector.load %arg3[%get3A_7, %get3A_8] : memref<8x128xf32, #tpu.memory_space<vmem>>, vector<8x128xf32>
    %broadcast_in_dim3A_10 = vector.shape_cast %get3A_9 : vector<8x128xf32> to vector<1x8x128xf32>
    %broadcast_in_dim3A_11 = vector.shape_cast %broadcast_in_dim3A_10 : vector<1x8x128xf32> to vector<1x8x128xf32>
    %broadcast_in_dim3A_12 = vector.broadcast %broadcast_in_dim3A_11 : vector<1x8x128xf32> to vector<400x8x128xf32>
    %reshape3A_13 = vector.shape_cast %broadcast_in_dim3A_12 : vector<400x8x128xf32> to vector<3200x128xf32>
    %broadcast_in_dim3A_14 = vector.shape_cast %get3A_1 : vector<200x16xf32> to vector<200x1x16xf32>
    %broadcast_in_dim3A_15 = vector.shape_cast %broadcast_in_dim3A_14 : vector<200x1x16xf32> to vector<200x1x16xf32>
    %broadcast_in_dim3A_16 = vector.broadcast %broadcast_in_dim3A_15 : vector<200x1x16xf32> to vector<200x16x16xf32>
    %reshape3A_17 = vector.shape_cast %broadcast_in_dim3A_16 : vector<200x16x16xf32> to vector<3200x16xf32>
    %mul3A = arith.mulf %reshape3A, %reshape3A_13 : vector<3200x128xf32>
    %concatenate3A = tpu.concatenate %mul3A, %reshape3A_17 in 1 : vector<3200x128xf32>, vector<3200x16xf32> -> vector<3200x144xf32>
    %get3A_18 = arith.constant 0 : index
    %get3A_19 = arith.constant 0 : index
    %get3A_20 = vector.load %arg4[%get3A_18, %get3A_19] : memref<144x256xf32, #tpu.memory_space<vmem>>, vector<144x256xf32>
    %dot_general3A = arith.constant dense<0.000000e+00> : vector<3200x256xf32>
    %dot_general3A_21 = tpu.matmul %concatenate3A, %get3A_20, %dot_general3A {dimension_numbers = #tpu.dot_dimension_numbers<[1], [0], [0], [1], [0, 0, 1, 1], [], []>, transpose_lhs_hint = false} : vector<3200x144xf32>, vector<144x256xf32>, vector<3200x256xf32> -> vector<3200x256xf32>
    %slice3A = vector.extract_strided_slice %dot_general3A_21 {offsets = [0, 0], sizes = [3200, 192], strides = [1, 1]} : vector<3200x256xf32> to vector<3200x192xf32>
    %mul3A_22 = arith.mulf %slice3A, %slice3A : vector<3200x192xf32>
    %get3A_23 = arith.constant 0 : index
    %get3A_24 = arith.constant 0 : index
    %get3A_25 = vector.load %arg5[%get3A_23, %get3A_24] : memref<192x128xf32, #tpu.memory_space<vmem>>, vector<192x128xf32>
    %dot_general3A_26 = arith.constant dense<0.000000e+00> : vector<3200x128xf32>
    %dot_general3A_27 = tpu.matmul %mul3A_22, %get3A_25, %dot_general3A_26 {dimension_numbers = #tpu.dot_dimension_numbers<[1], [0], [0], [1], [0, 0, 1, 1], [], []>, transpose_lhs_hint = false} : vector<3200x192xf32>, vector<192x128xf32>, vector<3200x128xf32> -> vector<3200x128xf32>
    %add3A = arith.constant 9.99999997E-7 : f32
    %add3A_28 = vector.broadcast %add3A : f32 to vector<3200x128xf32>
    %add3A_29 = arith.addf %dot_general3A_27, %add3A_28 : vector<3200x128xf32>
    %sqrt3A = math.sqrt %add3A_29 : vector<3200x128xf32>
    %add3A_30 = arith.constant 0.00999999977 : f32
    %add3A_31 = vector.broadcast %add3A_30 : f32 to vector<3200x128xf32>
    %add3A_32 = arith.addf %sqrt3A, %add3A_31 : vector<3200x128xf32>
    %slice3A_33 = vector.extract_strided_slice %dot_general3A_21 {offsets = [0, 192], sizes = [3200, 1], strides = [1, 1]} : vector<3200x256xf32> to vector<3200x1xf32>
    %slice3A_34 = vector.extract_strided_slice %dot_general3A_21 {offsets = [0, 193], sizes = [3200, 1], strides = [1, 1]} : vector<3200x256xf32> to vector<3200x1xf32>
    %mul3A_35 = arith.mulf %slice3A_33, %slice3A_34 : vector<3200x1xf32>
    %iota3A = tpu.iota {dimensions = array<i32: 1>} : vector<3200x128xi32>
    %lt3A = arith.constant 64 : i32
    %lt3A_36 = vector.broadcast %lt3A : i32 to vector<3200x128xi32>
    %lt3A_37 = arith.cmpi slt, %iota3A, %lt3A_36 : vector<3200x128xi32>
    %log3A = math.log %add3A_32 : vector<3200x128xf32>
    %div3A = arith.constant 1.000000e+00 : f32
    %div3A_38 = vector.broadcast %div3A : f32 to vector<3200x128xf32>
    %div3A_39 = arith.divf %div3A_38, %add3A_32 : vector<3200x128xf32>
    %select_n3A = arith.select %lt3A_37, %log3A, %div3A_39 : vector<3200x128xi1>, vector<3200x128xf32>
    %mul3A_40 = vector.broadcast %mul3A_35 : vector<3200x1xf32> to vector<3200x128xf32>
    %mul3A_41 = arith.mulf %select_n3A, %mul3A_40 : vector<3200x128xf32>
    %swap3A = arith.constant 0 : index
    %swap3A_42 = arith.constant 0 : index
    %swap3A_43 = vector.load %arg6[%swap3A, %swap3A_42] : memref<3200x128xf32, #tpu.memory_space<vmem>>, vector<3200x128xf32>
    tpu.vector_store %arg6[%swap3A, %swap3A_42], %mul3A_41 {strides = array<i32>} : memref<3200x128xf32, #tpu.memory_space<vmem>>, vector<3200x128xf32>,
    return
  }
  func.func @transform_0(%arg0: i32) -> (i32, i32) {
    %add3A = arith.constant 0 : i32
    %add3A_0 = arith.addi %arg0, %add3A : i32
    %c0_i32 = arith.constant 0 : i32
    %c0_i32_1 = arith.constant 0 : i32
    return %add3A_0, %c0_i32 : i32, i32
  }
  func.func @transform_1(%arg0: i32) -> (i32, i32) {
    %c0_i32 = arith.constant 0 : i32
    %c0_i32_0 = arith.constant 0 : i32
    return %arg0, %c0_i32 : i32, i32
  }
  func.func @transform_2(%arg0: i32) -> (i32, i32) {
    %c0_i32 = arith.constant 0 : i32
    %c0_i32_0 = arith.constant 0 : i32
    %c0_i32_1 = arith.constant 0 : i32
    return %c0_i32, %c0_i32_0 : i32, i32
  }
  func.func @transform_3(%arg0: i32) -> (i32, i32) {
    %c0_i32 = arith.constant 0 : i32
    %c0_i32_0 = arith.constant 0 : i32
    %c0_i32_1 = arith.constant 0 : i32
    return %c0_i32, %c0_i32_0 : i32, i32
  }
  func.func @transform_4(%arg0: i32) -> (i32, i32) {
    %c0_i32 = arith.constant 0 : i32
    %c0_i32_0 = arith.constant 0 : i32
    %c0_i32_1 = arith.constant 0 : i32
    return %c0_i32, %c0_i32_0 : i32, i32
  }
  func.func @transform_5(%arg0: i32) -> (i32, i32) {
    %add3A = arith.constant 0 : i32
    %add3A_0 = arith.addi %arg0, %add3A : i32
    %c0_i32 = arith.constant 0 : i32
    %c0_i32_1 = arith.constant 0 : i32
    return %add3A_0, %c0_i32 : i32, i32
  }
}

module attributes {stable_mosaic.version = 14 : i64} {
  func.func @_featurize_body_alias(%arg0: i32, %arg1: memref<200x128xf32, #tpu.memory_space<vmem>>, %arg2: memref<400x128xf32, #tpu.memory_space<vmem>>, %arg3: memref<8x128xf32, #tpu.memory_space<vmem>>, %arg4: memref<144x256xf32, #tpu.memory_space<vmem>>, %arg5: memref<192x128xf32, #tpu.memory_space<vmem>>, %arg6: memref<160000x128xf32, #tpu.memory_space<any>>, %arg7: memref<3200x128xf32, #tpu.memory_space<vmem>>) attributes {dimension_semantics = [#tpu.dimension_semantics<arbitrary>], iteration_bounds = array<i64: 25>, scalar_prefetch = 0 : i64, scratch_operands = 0 : i64, tpu.core_type = #tpu.core_type<tc>, window_params = [{transform_indices = @transform_0, window_bounds = array<i64: 200, 128>}, {transform_indices = @transform_1, window_bounds = array<i64: 400, 128>}, {pipeline_mode = #tpu.pipeline_mode<synchronous>, transform_indices = @transform_2, window_bounds = array<i64: 8, 128>}, {pipeline_mode = #tpu.pipeline_mode<synchronous>, transform_indices = @transform_3, window_bounds = array<i64: 144, 256>}, {pipeline_mode = #tpu.pipeline_mode<synchronous>, transform_indices = @transform_4, window_bounds = array<i64: 192, 128>}, {}, {transform_indices = @transform_6, window_bounds = array<i64: 3200, 128>}]} {
    %get3A = arith.constant 0 : index
    %get3A_0 = arith.constant 0 : index
    %get3A_1 = vector.load %arg1[%get3A, %get3A_0] : memref<200x128xf32, #tpu.memory_space<vmem>>, vector<200x16xf32>
    %get3A_2 = arith.constant 0 : index
    %get3A_3 = arith.constant 0 : index
    %get3A_4 = vector.load %arg2[%get3A_2, %get3A_3] : memref<400x128xf32, #tpu.memory_space<vmem>>, vector<400x128xf32>
    %broadcast_in_dim3A = vector.shape_cast %get3A_4 : vector<400x128xf32> to vector<400x1x128xf32>
    %broadcast_in_dim3A_5 = vector.shape_cast %broadcast_in_dim3A : vector<400x1x128xf32> to vector<400x1x128xf32>
    %broadcast_in_dim3A_6 = vector.broadcast %broadcast_in_dim3A_5 : vector<400x1x128xf32> to vector<400x8x128xf32>
    %reshape3A = vector.shape_cast %broadcast_in_dim3A_6 : vector<400x8x128xf32> to vector<3200x128xf32>
    %get3A_7 = arith.constant 0 : index
    %get3A_8 = arith.constant 0 : index
    %get3A_9 = vector.load %arg3[%get3A_7, %get3A_8] : memref<8x128xf32, #tpu.memory_space<vmem>>, vector<8x128xf32>
    %broadcast_in_dim3A_10 = vector.shape_cast %get3A_9 : vector<8x128xf32> to vector<1x8x128xf32>
    %broadcast_in_dim3A_11 = vector.shape_cast %broadcast_in_dim3A_10 : vector<1x8x128xf32> to vector<1x8x128xf32>
    %broadcast_in_dim3A_12 = vector.broadcast %broadcast_in_dim3A_11 : vector<1x8x128xf32> to vector<400x8x128xf32>
    %reshape3A_13 = vector.shape_cast %broadcast_in_dim3A_12 : vector<400x8x128xf32> to vector<3200x128xf32>
    %broadcast_in_dim3A_14 = vector.shape_cast %get3A_1 : vector<200x16xf32> to vector<200x1x16xf32>
    %broadcast_in_dim3A_15 = vector.shape_cast %broadcast_in_dim3A_14 : vector<200x1x16xf32> to vector<200x1x16xf32>
    %broadcast_in_dim3A_16 = vector.broadcast %broadcast_in_dim3A_15 : vector<200x1x16xf32> to vector<200x16x16xf32>
    %reshape3A_17 = vector.shape_cast %broadcast_in_dim3A_16 : vector<200x16x16xf32> to vector<3200x16xf32>
    %mul3A = arith.mulf %reshape3A, %reshape3A_13 : vector<3200x128xf32>
    %concatenate3A = tpu.concatenate %mul3A, %reshape3A_17 in 1 : vector<3200x128xf32>, vector<3200x16xf32> -> vector<3200x144xf32>
    %get3A_18 = arith.constant 0 : index
    %get3A_19 = arith.constant 0 : index
    %get3A_20 = vector.load %arg4[%get3A_18, %get3A_19] : memref<144x256xf32, #tpu.memory_space<vmem>>, vector<144x256xf32>
    %dot_general3A = arith.constant dense<0.000000e+00> : vector<3200x256xf32>
    %dot_general3A_21 = tpu.matmul %concatenate3A, %get3A_20, %dot_general3A {dimension_numbers = #tpu.dot_dimension_numbers<[1], [0], [0], [1], [0, 0, 1, 1], [], []>, transpose_lhs_hint = false} : vector<3200x144xf32>, vector<144x256xf32>, vector<3200x256xf32> -> vector<3200x256xf32>
    %slice3A = vector.extract_strided_slice %dot_general3A_21 {offsets = [0, 0], sizes = [3200, 192], strides = [1, 1]} : vector<3200x256xf32> to vector<3200x192xf32>
    %mul3A_22 = arith.mulf %slice3A, %slice3A : vector<3200x192xf32>
    %get3A_23 = arith.constant 0 : index
    %get3A_24 = arith.constant 0 : index
    %get3A_25 = vector.load %arg5[%get3A_23, %get3A_24] : memref<192x128xf32, #tpu.memory_space<vmem>>, vector<192x128xf32>
    %dot_general3A_26 = arith.constant dense<0.000000e+00> : vector<3200x128xf32>
    %dot_general3A_27 = tpu.matmul %mul3A_22, %get3A_25, %dot_general3A_26 {dimension_numbers = #tpu.dot_dimension_numbers<[1], [0], [0], [1], [0, 0, 1, 1], [], []>, transpose_lhs_hint = false} : vector<3200x192xf32>, vector<192x128xf32>, vector<3200x128xf32> -> vector<3200x128xf32>
    %add3A = arith.constant 9.99999997E-7 : f32
    %add3A_28 = vector.broadcast %add3A : f32 to vector<3200x128xf32>
    %add3A_29 = arith.addf %dot_general3A_27, %add3A_28 : vector<3200x128xf32>
    %sqrt3A = math.sqrt %add3A_29 : vector<3200x128xf32>
    %add3A_30 = arith.constant 0.00999999977 : f32
    %add3A_31 = vector.broadcast %add3A_30 : f32 to vector<3200x128xf32>
    %add3A_32 = arith.addf %sqrt3A, %add3A_31 : vector<3200x128xf32>
    %slice3A_33 = vector.extract_strided_slice %dot_general3A_21 {offsets = [0, 192], sizes = [3200, 1], strides = [1, 1]} : vector<3200x256xf32> to vector<3200x1xf32>
    %slice3A_34 = vector.extract_strided_slice %dot_general3A_21 {offsets = [0, 193], sizes = [3200, 1], strides = [1, 1]} : vector<3200x256xf32> to vector<3200x1xf32>
    %mul3A_35 = arith.mulf %slice3A_33, %slice3A_34 : vector<3200x1xf32>
    %iota3A = tpu.iota {dimensions = array<i32: 1>} : vector<3200x128xi32>
    %lt3A = arith.constant 64 : i32
    %lt3A_36 = vector.broadcast %lt3A : i32 to vector<3200x128xi32>
    %lt3A_37 = arith.cmpi slt, %iota3A, %lt3A_36 : vector<3200x128xi32>
    %log3A = math.log %add3A_32 : vector<3200x128xf32>
    %div3A = arith.constant 1.000000e+00 : f32
    %div3A_38 = vector.broadcast %div3A : f32 to vector<3200x128xf32>
    %div3A_39 = arith.divf %div3A_38, %add3A_32 : vector<3200x128xf32>
    %select_n3A = arith.select %lt3A_37, %log3A, %div3A_39 : vector<3200x128xi1>, vector<3200x128xf32>
    %mul3A_40 = vector.broadcast %mul3A_35 : vector<3200x1xf32> to vector<3200x128xf32>
    %mul3A_41 = arith.mulf %select_n3A, %mul3A_40 : vector<3200x128xf32>
    %swap3A = arith.constant 0 : index
    %swap3A_42 = arith.constant 0 : index
    %swap3A_43 = vector.load %arg7[%swap3A, %swap3A_42] : memref<3200x128xf32, #tpu.memory_space<vmem>>, vector<3200x128xf32>
    tpu.vector_store %arg7[%swap3A, %swap3A_42], %mul3A_41 {strides = array<i32>} : memref<3200x128xf32, #tpu.memory_space<vmem>>, vector<3200x128xf32>,
    return
  }
  func.func @transform_0(%arg0: i32) -> (i32, i32) {
    %add3A = arith.constant 25 : i32
    %add3A_0 = arith.addi %arg0, %add3A : i32
    %c0_i32 = arith.constant 0 : i32
    %c0_i32_1 = arith.constant 0 : i32
    return %add3A_0, %c0_i32 : i32, i32
  }
  func.func @transform_1(%arg0: i32) -> (i32, i32) {
    %c0_i32 = arith.constant 0 : i32
    %c0_i32_0 = arith.constant 0 : i32
    return %arg0, %c0_i32 : i32, i32
  }
  func.func @transform_2(%arg0: i32) -> (i32, i32) {
    %c0_i32 = arith.constant 0 : i32
    %c0_i32_0 = arith.constant 0 : i32
    %c0_i32_1 = arith.constant 0 : i32
    return %c0_i32, %c0_i32_0 : i32, i32
  }
  func.func @transform_3(%arg0: i32) -> (i32, i32) {
    %c0_i32 = arith.constant 0 : i32
    %c0_i32_0 = arith.constant 0 : i32
    %c0_i32_1 = arith.constant 0 : i32
    return %c0_i32, %c0_i32_0 : i32, i32
  }
  func.func @transform_4(%arg0: i32) -> (i32, i32) {
    %c0_i32 = arith.constant 0 : i32
    %c0_i32_0 = arith.constant 0 : i32
    %c0_i32_1 = arith.constant 0 : i32
    return %c0_i32, %c0_i32_0 : i32, i32
  }
  func.func @transform_6(%arg0: i32) -> (i32, i32) {
    %add3A = arith.constant 25 : i32
    %add3A_0 = arith.addi %arg0, %add3A : i32
    %c0_i32 = arith.constant 0 : i32
    %c0_i32_1 = arith.constant 0 : i32
    return %add3A_0, %c0_i32 : i32, i32
  }
}

</mosaic_0001>

<sc_bundles>
// kernel: kernel.6.cloned.1.call-start
scs
__scs_entry_jumppad:
0x0: {  	(pc) =	sbr.rel $0x88, $3  }
0x1: {  	(tag) =	ssettag $0x0;
	lr =	simm.s32 $0x1  }
0x2: {  	[smem:$0x3F9E] =	sst lr;
	_ =	strace $0xD0000000  }
0x3: {  	_ = 	snop  }
0x4: {  	_ = 	snop  }
0x5: {  	_ = 	snop  }
0x6: {  	_ = 	snop  }
0x7: {  	_ = 	snop  }
__scs_overlays_trampoline_lowered:
0x8: {  	[smem:$0x3FAD] =	sst s0  }
0x9: {  	[smem:$0x3FAE] =	sst s1  }
0xa: {  	[smem:$0x3FAF] =	sst s2  }
0xb: {  	[smem:$0x3FB0] =	sst s3  }
0xc: {  	[smem:$0x3FB1] =	sst s4  }
0xd: {  	[smem:$0x3FB2] =	sst s5  }
0xe: {  	[smem:$0x3FB3] =	sst s6  }
0xf: {  	[smem:$0x3FB4] =	sst s7  }
0x10: {  	[smem:$0x3FB5] =	sst s8  }
0x11: {  	[smem:$0x3FB6] =	sst s9;
	s0 =	simm.s32 @!p0 $0x0  }
0x12: {  	s1 =	sld [smem:$0x3F9C];
	s0 =	simm.s32 @p0 $0x1  }
0x13: {  	[smem:$0x3FB7] =	sst s0;
	s0 =	simm.s32 @!p1 $0x0  }
0x14: {  	s2 =	sld [smem:$0x3F9B];
	s0 =	simm.s32 @p1 $0x1  }
0x15: {  	[smem:$0x3FB8] =	sst s0;
	s0 =	simm.s32 @!p2 $0x0  }
0x16: {  	s3 =	sld [smem:$0x3FDB];
	s0 =	simm.s32 @p2 $0x1  }
0x17: {  	s4 =	simm.s32 $0x1BF5;
	[smem:$0x3FBA] =	sst s0  }
0x18: {  	s0 =	sld [smem:$0x3F9D];
	_ =	swait.ge [sflag:s4], $0x0  }
0x19: {  	s7 =	sld [smem:$0x3F9E]  }
0x1a: {  	s8 =	sadd.s32 $0xFFFFE003, lr  }
0x1b: {  	s9 =	sadd.s32 $0xFFFFFEF7, lr;
	s5 =	simm.s32 $0xFFFFFFFF;
	p2 =	slt.u32 s8, $0xFFFFF086  }
0x1c: {  	p1 =	slt.u32 s9, $0xF7A;
	s5 =	simm.s32 @!p2 $0x0  }
0x1d: {  	s5 =	simm.s32 @p1 $0x1;
	p0 =	seq.s32 s7, s2  }
0x1e: {  	s7 =	smul.u32 @!p0 $0xF7A, s2;
	p2 =	seq.s32 @!p0 s5, $0x0  }
0x1f: {  	s9 =	smul.u32 $0xF7A, s1;
	s8 =	simm.s32 @!p0 $0x1BF5;
	p2 =	por !p2, p0  }
0x20: {  	[sflag:s8] =	ssyncset.s32 @!p0 $0xFFFFF086;
	s6 =	sadd.s32 @!p0 s3, s7;
	s7 =	simm.s32 @!p0 $0x108  }
0x21: {  	s3 =	sadd.s32 s3, s9;
	s6 =	sadd.s32 @!p0 $0x88, s6;
	s7 =	simm.s32 @p2 $0x1082  }
0x22: {  	[simem:s7], [sflag:s8] =	dma.local @!p0 [hbm:s6], $0xF7A  }
0x23: {  	s9 =	sor.u32 $0xD0000000, s2;
	s6 =	simm.s32 $0x108;
	_ =	swait.ge @!p0 [sflag:s8], $0x0  }
0x24: {  	s3 =	sadd.s32 $0x88, s3;
	s6 =	simm.s32 @!p1 $0x1082;
	[sflag:s4] =	ssyncset.s32 $0xFFFFF086  }
0x25: {  	[simem:s6], [sflag:s4] =	dma.local [hbm:s3], $0xF7A  }
0x26: {  	[smem:$0x3F9E] =	sst s1;
	(tag) =	ssettag s2;
	_ =	strace s9  }
0x27: {  	s1 =	sld [smem:$0x3FAE]  }
0x28: {  	s2 =	sld [smem:$0x3FAF]  }
0x29: {  	s4 =	sld [smem:$0x3FB1]  }
0x2a: {  	p0 =	seq.s32 s5, $0x0;
	s5 =	sld [smem:$0x3FB2]  }
0x2b: {  	s6 =	sld [smem:$0x3FB3]  }
0x2c: {  	s7 =	sld [smem:$0x3FB4]  }
0x2d: {  	s3 =	simm.s32 $0x108;
	s8 =	sld [smem:$0x3FB5]  }
0x2e: {  	s3 =	simm.s32 @!p0 $0x1082;
	s9 =	sld [smem:$0x3FB6]  }
0x2f: {  	lr =	sadd.s32 s0, s3;
	s0 =	sld [smem:$0x3FAD]  }
0x30: {  	s3 =	sld [smem:$0x3FB0]  }
0x31: {  	[smem:$0x3FB9] =	sst s10  }
0x32: {  	s10 =	sld [smem:$0x3FB7];
	_ =	sdelay $0x3  }
0x33: {  	p0 =	seq.s32 s10, $0x1;
	s10 =	sld [smem:$0x3FB9];
	_ =	sdelay $0x3  }
0x34: {  	[smem:$0x3FB9] =	sst s10  }
0x35: {  	s10 =	sld [smem:$0x3FB8];
	_ =	sdelay $0x3  }
0x36: {  	p1 =	seq.s32 s10, $0x1;
	s10 =	sld [smem:$0x3FB9];
	_ =	sdelay $0x3  }
0x37: {  	[smem:$0x3FB9] =	sst s10  }
0x38: {  	s10 =	sld [smem:$0x3FBA]  }
0x39: {  	_ = 	snop;
	(pc) =	sbr.ind lr, $3  }
0x3a: {  	_ = 	snop  }
0x3b: {  	_ = 	snop  }
0x3c: {  	p2 =	seq.s32 s10, $0x1;
	s10 =	sld [smem:$0x3FB9]  }
0x3d: {  	_ =	shalt  }
0x3e: {  	_ =	shalt  }
0x3f: {  	_ =	shalt  }
0x40: {  	_ =	shalt  }
0x41: {  	_ =	shalt  }
0x42: {  	_ =	shalt  }
0x43: {  	_ =	shalt  }
0x44: {  	_ =	shalt  }
0x45: {  	_ =	shalt  }
0x46: {  	_ =	shalt  }
0x47: {  	_ =	shalt  }
0x48: {  	_ =	shalt  }
0x49: {  	_ =	shalt  }
0x4a: {  	_ =	shalt  }
0x4b: {  	_ =	shalt  }
0x4c: {  	_ =	shalt  }
0x4d: {  	_ =	shalt  }
0x4e: {  	_ =	shalt  }
0x4f: {  	_ =	shalt  }
0x50: {  	_ =	shalt  }
0x51: {  	_ =	shalt  }
0x52: {  	_ =	shalt  }
0x53: {  	_ =	shalt  }
0x54: {  	_ =	shalt  }
0x55: {  	_ =	shalt  }
0x56: {  	_ =	shalt  }
0x57: {  	_ =	shalt  }
0x58: {  	_ =	shalt  }
0x59: {  	_ =	shalt  }
0x5a: {  	_ =	shalt  }
0x5b: {  	_ =	shalt  }
0x5c: {  	_ =	shalt  }
0x5d: {  	_ =	shalt  }
0x5e: {  	_ =	shalt  }
0x5f: {  	_ =	shalt  }
0x60: {  	_ =	shalt  }
0x61: {  	_ =	shalt  }
0x62: {  	_ =	shalt  }
0x63: {  	_ =	shalt  }
0x64: {  	_ =	shalt  }
0x65: {  	_ =	shalt  }
0x66: {  	_ =	shalt  }
0x67: {  	_ =	shalt  }
0x68: {  	_ =	shalt  }
0x69: {  	_ =	shalt  }
0x6a: {  	_ =	shalt  }
0x6b: {  	_ =	shalt  }
0x6c: {  	_ =	shalt  }
0x6d: {  	_ =	shalt  }
0x6e: {  	_ =	shalt  }
0x6f: {  	_ =	shalt  }
0x70: {  	_ =	shalt  }
0x71: {  	_ =	shalt  }
0x72: {  	_ =	shalt  }
0x73: {  	_ =	shalt  }
0x74: {  	_ =	shalt  }
0x75: {  	_ =	shalt  }
0x76: {  	_ =	shalt  }
0x77: {  	_ =	shalt  }
0x78: {  	_ =	shalt  }
0x79: {  	_ =	shalt  }
0x7a: {  	_ =	shalt  }
0x7b: {  	_ =	shalt  }
0x7c: {  	_ =	shalt  }
0x7d: {  	_ =	shalt  }
0x7e: {  	_ =	shalt  }
0x7f: {  	_ =	shalt  }
0x80: {  	_ =	shalt  }
0x81: {  	_ =	shalt  }
0x82: {  	_ =	shalt  }
0x83: {  	_ =	shalt  }
0x84: {  	_ =	shalt  }
0x85: {  	_ =	shalt  }
0x86: {  	_ =	shalt  }
0x87: {  	_ =	shalt  }
.Lfunc_end0:
.L_simem_size_0:
called_computation_lowered:
.L_overlay_start_0:
0x88: {  	s2 =	sld [smem:$0x3FD9]  }
0x89: {  	s3 =	sld [smem:$0x3FFE];
	_ =	sdelay $0x1  }
0x8a: {  	s1 =	srdreg.scid  }
0x8b: {  	s0 =	sand.u32 $0x1, s1  }
0x8c: {  	s17 =	sshll.u32 s0, $0xA;
	s2 =	sadd.s32 s3, s2  }
0x8d: {  	s2 =	sadd.s32 s2, s17  }
0x8e: {  	[smem:$0x3FC5] =	sst s2  }
0x8f: {  	_ = 	snop  }
0x90: {  	s2 =	sld [smem:$0x3FD0];
	(tm) =	ssettm $0x1  }
0x91: {  	s18 =	sld [smem:$0x3FFB];
	_ =	sdelay $0x3  }
0x92: {  	_ =	strace s18  }
0x93: {  	s3 =	sld [smem:$0x3FFC];
	_ =	sdelay $0x3  }
0x94: {  	_ =	strace s3  }
0x95: {  	s3 =	sld [smem:$0x3FFD];
	_ =	sdelay $0x3  }
0x96: {  	_ =	strace s3  }
0x97: {  	_ =	strace $0x8FFFFFFF  }
0x98: {  	s19 =	sld [smem:$0x3FDB];
	_ =	sdelay $0x1  }
0x99: {  	s4 =	simm.s32 $_scs_section_size  }
0x9a: {  	s5 =	simm.s32 $_size__tile_overlayer_lowered;
	s6 =	simm.s32 $_tile_overlayer_lowered  }
0x9b: {  	s22 =	simm.s32 $0x1BFF;
	s21 =	sshll.u32 s6, $0x1;
	s3 =	sadd.s32 s4, s19  }
0x9c: {  	s7 =	simm.s32 $0x0;
	s20 =	sshll.u32 s5, $0x1;
	s5 =	sadd.s32 s21, s3  }
0x9d: {  	[timem:s7], [sflag:s22] =	dma.local [hbm:s5], s20  }
0x9e: {  	_ =	swait.ge [sflag:s22], s20  }
0x9f: {  	s4 =	ssub.s32 $0x0, s20;
	[sflag:s22] =	ssyncset.done $0x0  }
0xa0: {  	[sflag:s22] =	ssyncadd.s32 s4;
	_ =	sdelay $0x1  }
0xa1: {  	s23 =	simm.s32 $0x1B8B  }
0xa2: {  	_ =	swait.ge [sflag:s23], $0x1  }
0xa3: {  	[sflag:s23] =	ssyncset.done $0x0  }
0xa4: {  	s25 =	simm.s32 $0x1B8E;
	s24 =	sld [smem:$0x3FFE];
	[sflag:s23] =	ssyncadd.s32 $0xFFFFFFFF  }
0xa5: {  	s26 =	simm.s32 $execute0_lowered;
	[smem:$0x3FD2] =	sst s25  }
0xa6: {  	s5 =	sshll.u32 s26, $0x1;
	_ =	strace $0x80000046;
	[dreg:$0x1] =	wrdreg $0xFFFFFFFF  }
0xa7: {  	s28 =	simm.s32 $_size_execute0_lowered;
	s3 =	sadd.s32 s3, s5;
	[dreg:$0x0] =	wrdreg $0x0  }
0xa8: {  	s5 =	sshll.u32 s28, $0x1;
	[dreg:$0x2] =	wrdreg s3  }
0xa9: {  	[dreg:$0x3] =	wrdreg s5  }
0xaa: {  	[dreg:$0x4] =	wrdreg $0xC0  }
0xab: {  	_ =	task [dreg:s7], $0x5FFFF  }
0xac: {  	[dreg:$0x1] =	wrdreg $0xFFFFFFFF  }
0xad: {  	[dreg:$0x0] =	wrdreg $0x60  }
0xae: {  	[dreg:$0x2] =	wrdreg s24  }
0xaf: {  	[dreg:$0x3] =	wrdreg s2  }
0xb0: {  	[dreg:$0x4] =	wrdreg $0x9  }
0xb1: {  	_ =	task.clear_ibuf [dreg:s7], $0x5FFFF;
	_ =	strace $0x90000046  }
0xb2: {  	s29 =	simm.s32 $0x9;
	_ =	strace $0x80000048  }
0xb3: {  	_ =	swait.ge [sflag:s29], $0x1  }
0xb4: {  	[sflag:s29] =	ssyncadd.s32 $0xFFFFFFFF  }
0xb5: {  	_ =	strace $0x90000048  }
0xb6: {  	_ =	sfence  }
0xb7: {  	s30 =	sld [smem:$0x0];
	_ =	sdelay $0x2  }
0xb8: {  	s31 =	sshll.u32 s1, $0xD;
	s1 =	sshrl.u32 s1, $0x2  }
0xb9: {  	s3 =	sand.u32 $0x4000, s31;
	s1 =	sadd.s32 s1, s30  }
0xba: {  	s0 =	sor.u32 s3, s0;
	s1 =	sshll.u32 s1, $0x11  }
0xbb: {  	s0 =	sor.u32 s1, s0  }
0xbc: {  	s0 =	sadd.s32 $0x8F2B, s0  }
0xbd: {  	[sflag:s0] =	ssyncadd.remote.s32 $0x1  }
0xbe: {  	_ =	sfence.sel $0xFFFF  }
0xbf: {  	[dreg:$0x0] =	wrdreg $0xFFFFFFFF;
	(pc) =	sbr.abs _section_cstart, $3  }
0xc0: {  	[dreg:$0x1] =	wrdreg $0xFFFFFFFF  }
0xc1: {  	_ =	task.clear_ibuf [dreg:s7], $0x2FFFF;
	_ =	strace $0x9FFFFFFF  }
0xc2: {  	(tm) =	ssettm $0x7FFFFFFF  }
0xc3: {  	_ =	shalt  }
tec
execute0_lowered:
.L_overlay_start_1:
0x0: {  	(tag) =	ssettag $0x1  }
0x1: {  	s0 =	rddreg [dreg:$0x0]  }
0x2: {  	s1 =	srdreg.scid;
	s2 =	stileid.u32  }
0x3: {  	s7 =	rddreg [dreg:$0x1];
	s10 =	simm.s32 $0x80;
	s11 =	simm.s32 $0x5000  }
0x4: {  	s12 =	simm.s32 $0x5A00;
	s13 =	simm.s32 $0x5080;
	s14 =	simm.s32 $0x6200  }
0x5: {  	s15 =	simm.s32 $0x5100;
	s16 =	simm.s32 $0x6A00;
	s17 =	simm.s32 $0x5180  }
0x6: {  	s18 =	simm.s32 $0x7200;
	s19 =	simm.s32 $0x5200;
	s20 =	simm.s32 $0x7A00  }
0x7: {  	s21 =	simm.s32 $0x1;
	s23 =	simm.s32 $0xDA00;
	s24 =	simm.s32 $0x5880  }
0x8: {  	s25 =	simm.s32 $0xE200;
	s26 =	simm.s32 $0x5900;
	s28 =	simm.s32 $0xEA00  }
0x9: {  	s29 =	simm.s32 $0x5980;
	s1 =	sand.u32 $0x1, s1;
	s3 =	sshll.u32 s2, $0x1  }
0xa: {  	s30 =	simm.s32 $0xF200;
	s2 =	simm.s32 $0x0;
	s9 =	sor.u32 s1, s3  }
0xb: {  	s31 =	simm.s32 $0x0;
	[smem:$0x7FF] =	sst s2;
	s4 =	smul.u32 $0xA00, s9  }
.Ltmp0:
0xc: {  	s1 =	ssub.s32 $0x2, s1;
	s3 =	sadd.s32 $0x1C00, s0;
	(pc) =	sbr.rel .LBB2_1-.Ltmp0, $4  }
0xd: {  	_ =	strace $0x80000047;
	s5 =	smul.u32 $0x1400, s9;
	s6 =	sshrl.u32 s1, $0x1  }
0xe: {  	p0 =	seq.s32 s9, $0x1F;
	s9 =	simm.s32 $0x2;
	s1 =	ssub.s32 s1, s6  }
0xf: {  	s6 =	sadd.s32 $0x3C400, s0;
	s4 =	sadd.s32 s4, s0;
	s5 =	sadd.s32 s7, s5  }
0x10: {  	s7 =	sadd.s32 $0x26C00, s7;
	s8 =	smax.u32 s1, $0x1;
	s4 =	sadd.s32 $0x28E00, s4  }
.LBB2_5:
0x11: {  	[tilespmem:s2], [sflag:$0x2] =	stream.linear.gather [hbm4b:s6+s2], $0x1400, $0x38;
	[tilespmem:$0xFA00] =	vst v63  }
0x12: {  	_ =	swait.ge [sflag:s9], $0x1400  }
0x13: {  	[sflag:s9] =	ssyncset.done $0x0  }
0x14: {  	[sflag:s9] =	ssyncadd.s32 $0xFFFFEC00  }
0x15: {  	v0 =	vld [tilespmem:$0x0]  }
0x16: {  	v1 =	vld [tilespmem:$0x80]  }
0x17: {  	v2 =	vld [tilespmem:$0x100]  }
0x18: {  	v3 =	vld [tilespmem:$0x180]  }
0x19: {  	v4 =	vld [tilespmem:$0x200]  }
0x1a: {  	v5 =	vld [tilespmem:$0x280];
	v0 =	vshll.u32 v0, $0x3  }
0x1b: {  	v48 =	vld [tilespmem:$0x300];
	v47 =	vshll.u32 v1, $0x3;
	[tilespmem:$0x5000] =	vst v0  }
0x1c: {  	v50 =	vld [tilespmem:$0x380];
	v49 =	vshll.u32 v2, $0x3;
	[tilespmem:$0x5010] =	vst v47  }
0x1d: {  	v52 =	vld [tilespmem:$0x400];
	v51 =	vshll.u32 v3, $0x3;
	[tilespmem:$0x5020] =	vst v49  }
0x1e: {  	v54 =	vld [tilespmem:$0x480];
	v53 =	vshll.u32 v4, $0x3;
	[tilespmem:$0x5030] =	vst v51  }
0x1f: {  	v56 =	vld [tilespmem:$0x500];
	v55 =	vshll.u32 v5, $0x3;
	[tilespmem:$0x5040] =	vst v53  }
0x20: {  	v58 =	vld [tilespmem:$0x580];
	v57 =	vshll.u32 v48, $0x3;
	[tilespmem:$0x5050] =	vst v55  }
0x21: {  	v60 =	vld [tilespmem:$0x600];
	v59 =	vshll.u32 v50, $0x3;
	[tilespmem:$0x5060] =	vst v57  }
0x22: {  	v62 =	vld [tilespmem:$0x680];
	v61 =	vshll.u32 v52, $0x3;
	[tilespmem:$0x5070] =	vst v59  }
0x23: {  	v8 =	vld [tilespmem:$0x700];
	v63 =	vshll.u32 v54, $0x3;
	[tilespmem:$0x5080] =	vst v61  }
0x24: {  	v10 =	vld [tilespmem:$0x780];
	v9 =	vshll.u32 v56, $0x3;
	[tilespmem:$0x5090] =	vst v63  }
0x25: {  	v12 =	vld [tilespmem:$0x800];
	v11 =	vshll.u32 v58, $0x3;
	[tilespmem:$0x50A0] =	vst v9  }
0x26: {  	v14 =	vld [tilespmem:$0x880];
	v13 =	vshll.u32 v60, $0x3;
	[tilespmem:$0x50B0] =	vst v11  }
0x27: {  	v16 =	vld [tilespmem:$0x900];
	v15 =	vshll.u32 v62, $0x3;
	[tilespmem:$0x50C0] =	vst v13  }
0x28: {  	v18 =	vld [tilespmem:$0x980];
	v17 =	vshll.u32 v8, $0x3;
	[tilespmem:$0x50D0] =	vst v15  }
0x29: {  	v20 =	vld [tilespmem:$0xA00];
	v19 =	vshll.u32 v10, $0x3;
	[tilespmem:$0x50E0] =	vst v17  }
0x2a: {  	v22 =	vld [tilespmem:$0xA80];
	v21 =	vshll.u32 v12, $0x3;
	[tilespmem:$0x50F0] =	vst v19  }
0x2b: {  	v24 =	vld [tilespmem:$0xB00];
	v23 =	vshll.u32 v14, $0x3;
	[tilespmem:$0x5100] =	vst v21  }
0x2c: {  	v26 =	vld [tilespmem:$0xB80];
	v25 =	vshll.u32 v16, $0x3;
	[tilespmem:$0x5110] =	vst v23  }
0x2d: {  	v28 =	vld [tilespmem:$0xC00];
	v27 =	vshll.u32 v18, $0x3;
	[tilespmem:$0x5120] =	vst v25  }
0x2e: {  	v30 =	vld [tilespmem:$0xC80];
	v29 =	vshll.u32 v20, $0x3;
	[tilespmem:$0x5130] =	vst v27  }
0x2f: {  	v32 =	vld [tilespmem:$0xD00];
	v31 =	vshll.u32 v22, $0x3;
	[tilespmem:$0x5140] =	vst v29  }
0x30: {  	v34 =	vld [tilespmem:$0xD80];
	v33 =	vshll.u32 v24, $0x3;
	[tilespmem:$0x5150] =	vst v31  }
0x31: {  	v36 =	vld [tilespmem:$0xE00];
	v35 =	vshll.u32 v26, $0x3;
	[tilespmem:$0x5160] =	vst v33  }
0x32: {  	v38 =	vld [tilespmem:$0xE80];
	v37 =	vshll.u32 v28, $0x3;
	[tilespmem:$0x5170] =	vst v35  }
0x33: {  	v40 =	vld [tilespmem:$0xF00];
	v39 =	vshll.u32 v30, $0x3;
	[tilespmem:$0x5180] =	vst v37  }
0x34: {  	v42 =	vld [tilespmem:$0xF80];
	v41 =	vshll.u32 v32, $0x3;
	[tilespmem:$0x5190] =	vst v39  }
0x35: {  	v44 =	vld [tilespmem:$0x1000];
	v43 =	vshll.u32 v34, $0x3;
	[tilespmem:$0x51A0] =	vst v41  }
0x36: {  	v46 =	vld [tilespmem:$0x1080];
	v45 =	vshll.u32 v36, $0x3;
	[tilespmem:$0x51B0] =	vst v43  }
0x37: {  	v48 =	vld [tilespmem:$0x1100];
	[tilespmem:$0x51C0] =	vst v45;
	v47 =	vshll.u32 v38, $0x3  }
0x38: {  	v50 =	vld [tilespmem:$0x1180];
	v49 =	vshll.u32 v40, $0x3;
	[tilespmem:$0x51D0] =	vst v47  }
0x39: {  	v52 =	vld [tilespmem:$0x1200];
	v51 =	vshll.u32 v42, $0x3;
	[tilespmem:$0x51E0] =	vst v49  }
0x3a: {  	v54 =	vld [tilespmem:$0x1280];
	v53 =	vshll.u32 v44, $0x3;
	[tilespmem:$0x51F0] =	vst v51  }
0x3b: {  	v56 =	vld [tilespmem:$0x1300];
	v55 =	vshll.u32 v46, $0x3;
	[tilespmem:$0x5200] =	vst v53  }
0x3c: {  	v58 =	vld [tilespmem:$0x1380];
	[tilespmem:$0x5210] =	vst v55;
	v57 =	vshll.u32 v48, $0x3  }
0x3d: {  	v59 =	vshll.u32 v50, $0x3;
	[tilespmem:$0x5220] =	vst v57  }
0x3e: {  	v60 =	vshll.u32 v52, $0x3;
	[tilespmem:$0x5230] =	vst v59  }
0x3f: {  	v61 =	vshll.u32 v54, $0x3;
	[tilespmem:$0x5240] =	vst v60  }
0x40: {  	v62 =	vshll.u32 v56, $0x3;
	[tilespmem:$0x5250] =	vst v61  }
0x41: {  	v63 =	vshll.u32 v58, $0x3;
	[tilespmem:$0x5260] =	vst v62  }
0x42: {  	[tilespmem:$0x5270] =	vst v63  }
0x43: {  	[tilespmem:s12], [sflag:$0x1] =	stream.indirect.gather [hbm4b:s3+s10], $0x10, s11, s10, $0xb8;
	[tilespmem:$0xFA00] =	vst v63  }
0x44: {  	_ = 	snop  }
0x45: {  	[tilespmem:s14], [sflag:$0x1] =	stream.indirect.gather [hbm4b:s3+s10], $0x10, s13, s10, $0xb8;
	[tilespmem:$0xFA00] =	vst v63  }
0x46: {  	_ = 	snop  }
0x47: {  	[tilespmem:s16], [sflag:$0x1] =	stream.indirect.gather [hbm4b:s3+s10], $0x10, s15, s10, $0xb8;
	[tilespmem:$0xFA00] =	vst v63  }
0x48: {  	_ = 	snop  }
0x49: {  	[tilespmem:s18], [sflag:$0x1] =	stream.indirect.gather [hbm4b:s3+s10], $0x10, s17, s10, $0xb8;
	[tilespmem:$0xFA00] =	vst v63  }
0x4a: {  	_ = 	snop  }
0x4b: {  	[tilespmem:s20], [sflag:$0x1] =	stream.indirect.gather [hbm4b:s3+s10], $0x10, s19, s10, $0xb8;
	[tilespmem:$0xFA00] =	vst v63  }
0x4c: {  	_ =	swait.ge [sflag:s21], $0x800  }
0x4d: {  	[sflag:s21] =	ssyncset.done $0x0  }
0x4e: {  	[sflag:s21] =	ssyncadd.s32 $0xFFFFF800  }
0x4f: {  	_ =	swait.ge [sflag:s21], $0x800  }
0x50: {  	[sflag:s21] =	ssyncset.done $0x0  }
0x51: {  	[sflag:s21] =	ssyncadd.s32 $0xFFFFF800  }
0x52: {  	_ =	swait.ge [sflag:s21], $0x800  }
0x53: {  	[sflag:s21] =	ssyncset.done $0x0  }
0x54: {  	[sflag:s21] =	ssyncadd.s32 $0xFFFFF800  }
0x55: {  	_ =	swait.ge [sflag:s21], $0x800  }
0x56: {  	[sflag:s21] =	ssyncset.done $0x0  }
0x57: {  	[sflag:s21] =	ssyncadd.s32 $0xFFFFF800  }
0x58: {  	_ =	swait.ge [sflag:s21], $0x800  }
0x59: {  	[sflag:s21] =	ssyncset.done $0x0  }
0x5a: {  	[sflag:s21] =	ssyncadd.s32 $0xFFFFF800  }
0x5b: {  	[hbm4b:s7+s2] =	stream.linear.scatter [tilespmem:s12], [sflag:$0x2], $0x2800, $0x38;
	[tilespmem:$0xFA00] =	vst v63  }
0x5c: {  	_ =	swait.ge [sflag:s9], $0x2800  }
0x5d: {  	[sflag:s9] =	ssyncset.done $0x0  }
0x5e: {  	[sflag:s9] =	ssyncadd.s32 $0xFFFFD800  }
.LBB2_6:
0x5f: {  	s31 =	sadd.s32 $0x1, s31  }
0x60: {  	p1 =	sne.s32 s31, s8  }
.Ltmp1:
0x61: {  	_ = 	snop;
	(pc) =	sbr.rel @!p1 .LBB2_7-.Ltmp1, $1  }
0x62: {  	_ =	sdelay $0x3  }
.LBB2_1:
.Ltmp2:
0x63: {  	(pc) =	sbr.rel @p0 .LBB2_5-.Ltmp2, $1  }
0x64: {  	_ =	sdelay $0x3  }
0x65: {  	s0 =	simm.s32 $0x0  }
0x66: {  	[tilespmem:s0], [sflag:$0x2] =	stream.linear.gather [hbm4b:s4+s0], $0x5000, $0x38;
	[tilespmem:$0xFA00] =	vst v63  }
0x67: {  	_ =	swait.ge [sflag:s9], $0x5000  }
0x68: {  	[sflag:s9] =	ssyncset.done $0x0  }
0x69: {  	s22 =	simm.s32 $0x0;
	[sflag:s9] =	ssyncadd.s32 $0xFFFFB000  }
0x6a: {  	v0 =	vld [tilespmem:s22+$0x0];
	_ =	sdelay $0x4  }
0x6b: {  	s1 =	simm.s32 $0x5040;
	v0 =	vshll.u32 v0, $0x3  }
0x6c: {  	[tilespmem:s1+$0xFFFFFFC0] =	vst v0  }
0x6d: {  	v0 =	vld [tilespmem:s22+$0x80];
	_ =	sdelay $0x4  }
0x6e: {  	v0 =	vshll.u32 v0, $0x3  }
0x6f: {  	[tilespmem:s1+$0xFFFFFFD0] =	vst v0  }
0x70: {  	v0 =	vld [tilespmem:s22+$0x100];
	_ =	sdelay $0x4  }
0x71: {  	v0 =	vshll.u32 v0, $0x3  }
0x72: {  	[tilespmem:s1+$0xFFFFFFE0] =	vst v0  }
0x73: {  	v0 =	vld [tilespmem:s22+$0x180];
	_ =	sdelay $0x4  }
0x74: {  	v0 =	vshll.u32 v0, $0x3  }
0x75: {  	[tilespmem:s1+$0xFFFFFFF0] =	vst v0  }
0x76: {  	v0 =	vld [tilespmem:s22+$0x200];
	_ =	sdelay $0x4  }
0x77: {  	v0 =	vshll.u32 v0, $0x3  }
0x78: {  	[tilespmem:s1+$0x0] =	vst v0  }
0x79: {  	v0 =	vld [tilespmem:s22+$0x280];
	_ =	sdelay $0x4  }
0x7a: {  	v0 =	vshll.u32 v0, $0x3  }
0x7b: {  	[tilespmem:s1+$0x10] =	vst v0  }
0x7c: {  	v0 =	vld [tilespmem:s22+$0x300];
	_ =	sdelay $0x4  }
0x7d: {  	v0 =	vshll.u32 v0, $0x3  }
0x7e: {  	[tilespmem:s1+$0x20] =	vst v0  }
0x7f: {  	v0 =	vld [tilespmem:s22+$0x380];
	_ =	sdelay $0x4  }
0x80: {  	v0 =	vshll.u32 v0, $0x3  }
0x81: {  	s0 =	simm.s32 $0x400;
	s22 =	simm.s32 $0x2000;
	[tilespmem:s1+$0x30] =	vst v0  }
.LBB2_3:
0x82: {  	p1 =	sne.s32 s22, $0x13000;
	v0 =	vld [tilespmem:s0+$0x0];
	_ =	sdelay $0x4  }
0x83: {  	s1 =	sadd.s32 $0x80, s1;
	v0 =	vshll.u32 v0, $0x3  }
0x84: {  	[tilespmem:s1+$0xFFFFFFC0] =	vst v0  }
0x85: {  	v0 =	vld [tilespmem:s0+$0x80];
	_ =	sdelay $0x4  }
0x86: {  	v0 =	vshll.u32 v0, $0x3  }
0x87: {  	[tilespmem:s1+$0xFFFFFFD0] =	vst v0  }
0x88: {  	v0 =	vld [tilespmem:s0+$0x100];
	_ =	sdelay $0x4  }
0x89: {  	v0 =	vshll.u32 v0, $0x3  }
0x8a: {  	[tilespmem:s1+$0xFFFFFFE0] =	vst v0  }
0x8b: {  	v0 =	vld [tilespmem:s0+$0x180];
	_ =	sdelay $0x4  }
0x8c: {  	v0 =	vshll.u32 v0, $0x3  }
0x8d: {  	[tilespmem:s1+$0xFFFFFFF0] =	vst v0  }
0x8e: {  	v0 =	vld [tilespmem:s0+$0x200];
	_ =	sdelay $0x4  }
0x8f: {  	v0 =	vshll.u32 v0, $0x3  }
0x90: {  	[tilespmem:s1+$0x0] =	vst v0  }
0x91: {  	v0 =	vld [tilespmem:s0+$0x280];
	_ =	sdelay $0x4  }
0x92: {  	v0 =	vshll.u32 v0, $0x3  }
0x93: {  	[tilespmem:s1+$0x10] =	vst v0  }
0x94: {  	v0 =	vld [tilespmem:s0+$0x300];
	_ =	sdelay $0x4  }
0x95: {  	v0 =	vshll.u32 v0, $0x3  }
0x96: {  	[tilespmem:s1+$0x20] =	vst v0  }
0x97: {  	v0 =	vld [tilespmem:s0+$0x380];
	_ =	sdelay $0x1  }
.Ltmp3:
0x98: {  	(pc) =	sbr.rel @p1 .LBB2_3-.Ltmp3, $3  }
0x99: {  	_ =	sdelay $0x1  }
0x9a: {  	v0 =	vshll.u32 v0, $0x3  }
0x9b: {  	s0 =	sshra.s32 s22, $0x2;
	s22 =	sadd.s32 $0x1000, s22;
	[tilespmem:s1+$0x30] =	vst v0  }
0x9c: {  	v0 =	vld [tilespmem:s0+$0x0];
	_ =	sdelay $0x4  }
0x9d: {  	s1 =	sadd.s32 $0x80, s1;
	v0 =	vshll.u32 v0, $0x3  }
0x9e: {  	[tilespmem:s1+$0xFFFFFFC0] =	vst v0  }
0x9f: {  	v0 =	vld [tilespmem:s0+$0x80];
	_ =	sdelay $0x4  }
0xa0: {  	v0 =	vshll.u32 v0, $0x3  }
0xa1: {  	[tilespmem:s1+$0xFFFFFFD0] =	vst v0  }
0xa2: {  	v0 =	vld [tilespmem:s0+$0x100];
	_ =	sdelay $0x4  }
0xa3: {  	v0 =	vshll.u32 v0, $0x3  }
0xa4: {  	[tilespmem:s1+$0xFFFFFFE0] =	vst v0  }
0xa5: {  	v0 =	vld [tilespmem:s0+$0x180];
	_ =	sdelay $0x4  }
0xa6: {  	v0 =	vshll.u32 v0, $0x3  }
0xa7: {  	[tilespmem:s1+$0xFFFFFFF0] =	vst v0  }
0xa8: {  	v0 =	vld [tilespmem:s0+$0x200];
	_ =	sdelay $0x4  }
0xa9: {  	v0 =	vshll.u32 v0, $0x3  }
0xaa: {  	[tilespmem:s1+$0x0] =	vst v0  }
0xab: {  	v0 =	vld [tilespmem:s0+$0x280];
	_ =	sdelay $0x4  }
0xac: {  	v0 =	vshll.u32 v0, $0x3  }
0xad: {  	[tilespmem:s1+$0x10] =	vst v0  }
0xae: {  	v0 =	vld [tilespmem:s0+$0x300];
	_ =	sdelay $0x4  }
0xaf: {  	v0 =	vshll.u32 v0, $0x3  }
0xb0: {  	[tilespmem:s1+$0x20] =	vst v0  }
0xb1: {  	v0 =	vld [tilespmem:s0+$0x380];
	_ =	sdelay $0x4  }
0xb2: {  	v0 =	vshll.u32 v0, $0x3  }
0xb3: {  	[tilespmem:s1+$0x30] =	vst v0  }
0xb4: {  	[tilespmem:s12], [sflag:$0x1] =	stream.indirect.gather [hbm4b:s3+s10], $0x10, s11, s10, $0xb8;
	[tilespmem:$0xFA00] =	vst v63  }
0xb5: {  	_ = 	snop  }
0xb6: {  	[tilespmem:s14], [sflag:$0x1] =	stream.indirect.gather [hbm4b:s3+s10], $0x10, s13, s10, $0xb8;
	[tilespmem:$0xFA00] =	vst v63  }
0xb7: {  	_ = 	snop  }
0xb8: {  	[tilespmem:s16], [sflag:$0x1] =	stream.indirect.gather [hbm4b:s3+s10], $0x10, s15, s10, $0xb8;
	[tilespmem:$0xFA00] =	vst v63  }
0xb9: {  	_ = 	snop  }
0xba: {  	[tilespmem:s18], [sflag:$0x1] =	stream.indirect.gather [hbm4b:s3+s10], $0x10, s17, s10, $0xb8;
	[tilespmem:$0xFA00] =	vst v63  }
0xbb: {  	_ = 	snop  }
0xbc: {  	[tilespmem:s20], [sflag:$0x1] =	stream.indirect.gather [hbm4b:s3+s10], $0x10, s19, s10, $0xb8;
	[tilespmem:$0xFA00] =	vst v63  }
0xbd: {  	s22 =	simm.s32 $0x8200;
	s1 =	simm.s32 $0x5280  }
0xbe: {  	[tilespmem:s22], [sflag:$0x1] =	stream.indirect.gather [hbm4b:s3+s10], $0x10, s1, s10, $0xb8;
	[tilespmem:$0xFA00] =	vst v63  }
0xbf: {  	s1 =	simm.s32 $0x5300;
	s22 =	simm.s32 $0x8A00  }
0xc0: {  	[tilespmem:s22], [sflag:$0x1] =	stream.indirect.gather [hbm4b:s3+s10], $0x10, s1, s10, $0xb8;
	[tilespmem:$0xFA00] =	vst v63  }
0xc1: {  	s1 =	simm.s32 $0x5380;
	s22 =	simm.s32 $0x9200  }
0xc2: {  	[tilespmem:s22], [sflag:$0x1] =	stream.indirect.gather [hbm4b:s3+s10], $0x10, s1, s10, $0xb8;
	[tilespmem:$0xFA00] =	vst v63  }
0xc3: {  	s1 =	simm.s32 $0x5400;
	s22 =	simm.s32 $0x9A00  }
0xc4: {  	[tilespmem:s22], [sflag:$0x1] =	stream.indirect.gather [hbm4b:s3+s10], $0x10, s1, s10, $0xb8;
	[tilespmem:$0xFA00] =	vst v63  }
0xc5: {  	s1 =	simm.s32 $0x5480;
	s22 =	simm.s32 $0xA200  }
0xc6: {  	[tilespmem:s22], [sflag:$0x1] =	stream.indirect.gather [hbm4b:s3+s10], $0x10, s1, s10, $0xb8;
	[tilespmem:$0xFA00] =	vst v63  }
0xc7: {  	s1 =	simm.s32 $0x5500;
	s22 =	simm.s32 $0xAA00  }
0xc8: {  	[tilespmem:s22], [sflag:$0x1] =	stream.indirect.gather [hbm4b:s3+s10], $0x10, s1, s10, $0xb8;
	[tilespmem:$0xFA00] =	vst v63  }
0xc9: {  	s1 =	simm.s32 $0x5580;
	s22 =	simm.s32 $0xB200  }
0xca: {  	[tilespmem:s22], [sflag:$0x1] =	stream.indirect.gather [hbm4b:s3+s10], $0x10, s1, s10, $0xb8;
	[tilespmem:$0xFA00] =	vst v63  }
0xcb: {  	s1 =	simm.s32 $0x5600;
	s22 =	simm.s32 $0xBA00  }
0xcc: {  	[tilespmem:s22], [sflag:$0x1] =	stream.indirect.gather [hbm4b:s3+s10], $0x10, s1, s10, $0xb8;
	[tilespmem:$0xFA00] =	vst v63  }
0xcd: {  	s1 =	simm.s32 $0x5680;
	s22 =	simm.s32 $0xC200  }
0xce: {  	[tilespmem:s22], [sflag:$0x1] =	stream.indirect.gather [hbm4b:s3+s10], $0x10, s1, s10, $0xb8;
	[tilespmem:$0xFA00] =	vst v63  }
0xcf: {  	s1 =	simm.s32 $0x5700;
	s22 =	simm.s32 $0xCA00  }
0xd0: {  	[tilespmem:s22], [sflag:$0x1] =	stream.indirect.gather [hbm4b:s3+s10], $0x10, s1, s10, $0xb8;
	[tilespmem:$0xFA00] =	vst v63  }
0xd1: {  	s1 =	simm.s32 $0x5780;
	s22 =	simm.s32 $0xD200  }
0xd2: {  	[tilespmem:s22], [sflag:$0x1] =	stream.indirect.gather [hbm4b:s3+s10], $0x10, s1, s10, $0xb8;
	[tilespmem:$0xFA00] =	vst v63  }
0xd3: {  	s22 =	simm.s32 $0x5800  }
0xd4: {  	[tilespmem:s23], [sflag:$0x1] =	stream.indirect.gather [hbm4b:s3+s10], $0x10, s22, s10, $0xb8;
	[tilespmem:$0xFA00] =	vst v63  }
0xd5: {  	_ = 	snop  }
0xd6: {  	[tilespmem:s25], [sflag:$0x1] =	stream.indirect.gather [hbm4b:s3+s10], $0x10, s24, s10, $0xb8;
	[tilespmem:$0xFA00] =	vst v63  }
0xd7: {  	_ = 	snop  }
0xd8: {  	[tilespmem:s28], [sflag:$0x1] =	stream.indirect.gather [hbm4b:s3+s10], $0x10, s26, s10, $0xb8;
	[tilespmem:$0xFA00] =	vst v63  }
0xd9: {  	_ = 	snop  }
0xda: {  	[tilespmem:s30], [sflag:$0x1] =	stream.indirect.gather [hbm4b:s3+s10], $0x10, s29, s10, $0xb8;
	[tilespmem:$0xFA00] =	vst v63  }
0xdb: {  	_ =	swait.ge [sflag:s21], $0x800  }
0xdc: {  	[sflag:s21] =	ssyncset.done $0x0  }
0xdd: {  	[sflag:s21] =	ssyncadd.s32 $0xFFFFF800  }
0xde: {  	_ =	swait.ge [sflag:s21], $0x800  }
0xdf: {  	[sflag:s21] =	ssyncset.done $0x0  }
0xe0: {  	[sflag:s21] =	ssyncadd.s32 $0xFFFFF800  }
0xe1: {  	_ =	swait.ge [sflag:s21], $0x800  }
0xe2: {  	[sflag:s21] =	ssyncset.done $0x0  }
0xe3: {  	[sflag:s21] =	ssyncadd.s32 $0xFFFFF800  }
0xe4: {  	_ =	swait.ge [sflag:s21], $0x800  }
0xe5: {  	[sflag:s21] =	ssyncset.done $0x0  }
0xe6: {  	[sflag:s21] =	ssyncadd.s32 $0xFFFFF800  }
0xe7: {  	_ =	swait.ge [sflag:s21], $0x800  }
0xe8: {  	[sflag:s21] =	ssyncset.done $0x0  }
0xe9: {  	[sflag:s21] =	ssyncadd.s32 $0xFFFFF800  }
0xea: {  	_ =	swait.ge [sflag:s21], $0x800  }
0xeb: {  	[sflag:s21] =	ssyncset.done $0x0  }
0xec: {  	[sflag:s21] =	ssyncadd.s32 $0xFFFFF800  }
0xed: {  	_ =	swait.ge [sflag:s21], $0x800  }
0xee: {  	[sflag:s21] =	ssyncset.done $0x0  }
0xef: {  	[sflag:s21] =	ssyncadd.s32 $0xFFFFF800  }
0xf0: {  	_ =	swait.ge [sflag:s21], $0x800  }
0xf1: {  	[sflag:s21] =	ssyncset.done $0x0  }
0xf2: {  	[sflag:s21] =	ssyncadd.s32 $0xFFFFF800  }
0xf3: {  	_ =	swait.ge [sflag:s21], $0x800  }
0xf4: {  	[sflag:s21] =	ssyncset.done $0x0  }
0xf5: {  	[sflag:s21] =	ssyncadd.s32 $0xFFFFF800  }
0xf6: {  	_ =	swait.ge [sflag:s21], $0x800  }
0xf7: {  	[sflag:s21] =	ssyncset.done $0x0  }
0xf8: {  	[sflag:s21] =	ssyncadd.s32 $0xFFFFF800  }
0xf9: {  	_ =	swait.ge [sflag:s21], $0x800  }
0xfa: {  	[sflag:s21] =	ssyncset.done $0x0  }
0xfb: {  	[sflag:s21] =	ssyncadd.s32 $0xFFFFF800  }
0xfc: {  	_ =	swait.ge [sflag:s21], $0x800  }
0xfd: {  	[sflag:s21] =	ssyncset.done $0x0  }
0xfe: {  	[sflag:s21] =	ssyncadd.s32 $0xFFFFF800  }
0xff: {  	_ =	swait.ge [sflag:s21], $0x800  }
0x100: {  	[sflag:s21] =	ssyncset.done $0x0  }
0x101: {  	[sflag:s21] =	ssyncadd.s32 $0xFFFFF800  }
0x102: {  	_ =	swait.ge [sflag:s21], $0x800  }
0x103: {  	[sflag:s21] =	ssyncset.done $0x0  }
0x104: {  	[sflag:s21] =	ssyncadd.s32 $0xFFFFF800  }
0x105: {  	_ =	swait.ge [sflag:s21], $0x800  }
0x106: {  	[sflag:s21] =	ssyncset.done $0x0  }
0x107: {  	[sflag:s21] =	ssyncadd.s32 $0xFFFFF800  }
0x108: {  	_ =	swait.ge [sflag:s21], $0x800  }
0x109: {  	[sflag:s21] =	ssyncset.done $0x0  }
0x10a: {  	[sflag:s21] =	ssyncadd.s32 $0xFFFFF800  }
0x10b: {  	_ =	swait.ge [sflag:s21], $0x800  }
0x10c: {  	[sflag:s21] =	ssyncset.done $0x0  }
0x10d: {  	[sflag:s21] =	ssyncadd.s32 $0xFFFFF800  }
0x10e: {  	_ =	swait.ge [sflag:s21], $0x800  }
0x10f: {  	[sflag:s21] =	ssyncset.done $0x0  }
0x110: {  	[sflag:s21] =	ssyncadd.s32 $0xFFFFF800  }
0x111: {  	_ =	swait.ge [sflag:s21], $0x800  }
0x112: {  	[sflag:s21] =	ssyncset.done $0x0  }
0x113: {  	[sflag:s21] =	ssyncadd.s32 $0xFFFFF800  }
0x114: {  	_ =	swait.ge [sflag:s21], $0x800  }
0x115: {  	[sflag:s21] =	ssyncset.done $0x0  }
.Ltmp4:
0x116: {  	[sflag:s21] =	ssyncadd.s32 $0xFFFFF800;
	(pc) =	sbr.rel .LBB2_6-.Ltmp4, $4  }
0x117: {  	[hbm4b:s5+s2] =	stream.linear.scatter [tilespmem:s12], [sflag:$0x2], $0xA000, $0x38;
	[tilespmem:$0xFA00] =	vst v63  }
0x118: {  	_ =	swait.ge [sflag:s9], $0xA000  }
0x119: {  	[sflag:s9] =	ssyncset.done $0x0  }
0x11a: {  	[sflag:s9] =	ssyncadd.s32 $0xFFFF6000  }
.LBB2_7:
0x11b: {  	_ =	sfence.sel $0x180000  }
0x11c: {  	[bflag:$0x0] =	sbarrier.arrive $0xFFFF  }
0x11d: {  	_ =	strace $0x90000047  }
0x11e: {  	s0 =	stileid.u32;
	[bflag:$0x2] =	sbarrier.arrive $0xFFFF  }
0x11f: {  	p0 =	sne.s32 s0, $0x0;
	s0 =	rddreg [dreg:$0x2]  }
0x120: {  	s0 =	sadd.s32 @!p0 $0x100000, s0  }
0x121: {  	[sflag:s0] =	ssyncadd.tile.s32 @!p0 $0x1;
	_ =	shalt  }
.Lfunc_end2:
_tile_overlayer_lowered:
.L_overlay_start_2:
0x122: {  	(tag) =	ssettag $0x2  }
0x123: {  	s0 =	rddreg [dreg:$0x0];
	s2 =	stileid.u32  }
0x124: {  	s1 =	rddreg [dreg:$0x1];
	p0 =	sne.s32 s2, $0x0  }
0x125: {  	s3 =	rddreg [dreg:$0x2];
	[bflag:$0x3] =	sbarrier.arrive $0xFFFF;
	s2 =	simm.s32 @!p0 $0x1C02  }
0x126: {  	[timem:s3], [sflag:s2] =	dma.local @!p0 [hbm:s0], s1  }
0x127: {  	s0 =	simm.s32 @!p0 $0x2  }
0x128: {  	_ =	swait.ge @!p0 [sflag:s0], s1  }
0x129: {  	s1 =	ssub.s32 @!p0 $0x0, s1;
	[sflag:s0] =	ssyncset.done @!p0 $0x0  }
0x12a: {  	[sflag:s0] =	ssyncadd.s32 @!p0 s1  }
0x12b: {  	[bflag:$0x3] =	sbarrier.arrive $0xFFFF  }
0x12c: {  	_ =	shalt  }

// kernel: kernel.9.cloned.1.call-start
scs
__scs_entry_jumppad:
0x0: {  	(pc) =	sbr.rel $0x88, $3  }
0x1: {  	(tag) =	ssettag $0x0;
	lr =	simm.s32 $0x1  }
0x2: {  	[smem:$0x3F9E] =	sst lr;
	_ =	strace $0xD0000000  }
0x3: {  	_ = 	snop  }
0x4: {  	_ = 	snop  }
0x5: {  	_ = 	snop  }
0x6: {  	_ = 	snop  }
0x7: {  	_ = 	snop  }
__scs_overlays_trampoline_lowered:
0x8: {  	[smem:$0x3FAD] =	sst s0  }
0x9: {  	[smem:$0x3FAE] =	sst s1  }
0xa: {  	[smem:$0x3FAF] =	sst s2  }
0xb: {  	[smem:$0x3FB0] =	sst s3  }
0xc: {  	[smem:$0x3FB1] =	sst s4  }
0xd: {  	[smem:$0x3FB2] =	sst s5  }
0xe: {  	[smem:$0x3FB3] =	sst s6  }
0xf: {  	[smem:$0x3FB4] =	sst s7  }
0x10: {  	[smem:$0x3FB5] =	sst s8  }
0x11: {  	[smem:$0x3FB6] =	sst s9;
	s0 =	simm.s32 @!p0 $0x0  }
0x12: {  	s1 =	sld [smem:$0x3F9C];
	s0 =	simm.s32 @p0 $0x1  }
0x13: {  	[smem:$0x3FB7] =	sst s0;
	s0 =	simm.s32 @!p1 $0x0  }
0x14: {  	s2 =	sld [smem:$0x3F9B];
	s0 =	simm.s32 @p1 $0x1  }
0x15: {  	[smem:$0x3FB8] =	sst s0;
	s0 =	simm.s32 @!p2 $0x0  }
0x16: {  	s3 =	sld [smem:$0x3FDB];
	s0 =	simm.s32 @p2 $0x1  }
0x17: {  	s4 =	simm.s32 $0x1BF5;
	[smem:$0x3FBA] =	sst s0  }
0x18: {  	s0 =	sld [smem:$0x3F9D];
	_ =	swait.ge [sflag:s4], $0x0  }
0x19: {  	s7 =	sld [smem:$0x3F9E]  }
0x1a: {  	s8 =	sadd.s32 $0xFFFFE003, lr  }
0x1b: {  	s9 =	sadd.s32 $0xFFFFFEF7, lr;
	s5 =	simm.s32 $0xFFFFFFFF;
	p2 =	slt.u32 s8, $0xFFFFF086  }
0x1c: {  	p1 =	slt.u32 s9, $0xF7A;
	s5 =	simm.s32 @!p2 $0x0  }
0x1d: {  	s5 =	simm.s32 @p1 $0x1;
	p0 =	seq.s32 s7, s2  }
0x1e: {  	s7 =	smul.u32 @!p0 $0xF7A, s2;
	p2 =	seq.s32 @!p0 s5, $0x0  }
0x1f: {  	s9 =	smul.u32 $0xF7A, s1;
	s8 =	simm.s32 @!p0 $0x1BF5;
	p2 =	por !p2, p0  }
0x20: {  	[sflag:s8] =	ssyncset.s32 @!p0 $0xFFFFF086;
	s6 =	sadd.s32 @!p0 s3, s7;
	s7 =	simm.s32 @!p0 $0x108  }
0x21: {  	s3 =	sadd.s32 s3, s9;
	s6 =	sadd.s32 @!p0 $0x88, s6;
	s7 =	simm.s32 @p2 $0x1082  }
0x22: {  	[simem:s7], [sflag:s8] =	dma.local @!p0 [hbm:s6], $0xF7A  }
0x23: {  	s9 =	sor.u32 $0xD0000000, s2;
	s6 =	simm.s32 $0x108;
	_ =	swait.ge @!p0 [sflag:s8], $0x0  }
0x24: {  	s3 =	sadd.s32 $0x88, s3;
	s6 =	simm.s32 @!p1 $0x1082;
	[sflag:s4] =	ssyncset.s32 $0xFFFFF086  }
0x25: {  	[simem:s6], [sflag:s4] =	dma.local [hbm:s3], $0xF7A  }
0x26: {  	[smem:$0x3F9E] =	sst s1;
	(tag) =	ssettag s2;
	_ =	strace s9  }
0x27: {  	s1 =	sld [smem:$0x3FAE]  }
0x28: {  	s2 =	sld [smem:$0x3FAF]  }
0x29: {  	s4 =	sld [smem:$0x3FB1]  }
0x2a: {  	p0 =	seq.s32 s5, $0x0;
	s5 =	sld [smem:$0x3FB2]  }
0x2b: {  	s6 =	sld [smem:$0x3FB3]  }
0x2c: {  	s7 =	sld [smem:$0x3FB4]  }
0x2d: {  	s3 =	simm.s32 $0x108;
	s8 =	sld [smem:$0x3FB5]  }
0x2e: {  	s3 =	simm.s32 @!p0 $0x1082;
	s9 =	sld [smem:$0x3FB6]  }
0x2f: {  	lr =	sadd.s32 s0, s3;
	s0 =	sld [smem:$0x3FAD]  }
0x30: {  	s3 =	sld [smem:$0x3FB0]  }
0x31: {  	[smem:$0x3FB9] =	sst s10  }
0x32: {  	s10 =	sld [smem:$0x3FB7];
	_ =	sdelay $0x3  }
0x33: {  	p0 =	seq.s32 s10, $0x1;
	s10 =	sld [smem:$0x3FB9];
	_ =	sdelay $0x3  }
0x34: {  	[smem:$0x3FB9] =	sst s10  }
0x35: {  	s10 =	sld [smem:$0x3FB8];
	_ =	sdelay $0x3  }
0x36: {  	p1 =	seq.s32 s10, $0x1;
	s10 =	sld [smem:$0x3FB9];
	_ =	sdelay $0x3  }
0x37: {  	[smem:$0x3FB9] =	sst s10  }
0x38: {  	s10 =	sld [smem:$0x3FBA]  }
0x39: {  	_ = 	snop;
	(pc) =	sbr.ind lr, $3  }
0x3a: {  	_ = 	snop  }
0x3b: {  	_ = 	snop  }
0x3c: {  	p2 =	seq.s32 s10, $0x1;
	s10 =	sld [smem:$0x3FB9]  }
0x3d: {  	_ =	shalt  }
0x3e: {  	_ =	shalt  }
0x3f: {  	_ =	shalt  }
0x40: {  	_ =	shalt  }
0x41: {  	_ =	shalt  }
0x42: {  	_ =	shalt  }
0x43: {  	_ =	shalt  }
0x44: {  	_ =	shalt  }
0x45: {  	_ =	shalt  }
0x46: {  	_ =	shalt  }
0x47: {  	_ =	shalt  }
0x48: {  	_ =	shalt  }
0x49: {  	_ =	shalt  }
0x4a: {  	_ =	shalt  }
0x4b: {  	_ =	shalt  }
0x4c: {  	_ =	shalt  }
0x4d: {  	_ =	shalt  }
0x4e: {  	_ =	shalt  }
0x4f: {  	_ =	shalt  }
0x50: {  	_ =	shalt  }
0x51: {  	_ =	shalt  }
0x52: {  	_ =	shalt  }
0x53: {  	_ =	shalt  }
0x54: {  	_ =	shalt  }
0x55: {  	_ =	shalt  }
0x56: {  	_ =	shalt  }
0x57: {  	_ =	shalt  }
0x58: {  	_ =	shalt  }
0x59: {  	_ =	shalt  }
0x5a: {  	_ =	shalt  }
0x5b: {  	_ =	shalt  }
0x5c: {  	_ =	shalt  }
0x5d: {  	_ =	shalt  }
0x5e: {  	_ =	shalt  }
0x5f: {  	_ =	shalt  }
0x60: {  	_ =	shalt  }
0x61: {  	_ =	shalt  }
0x62: {  	_ =	shalt  }
0x63: {  	_ =	shalt  }
0x64: {  	_ =	shalt  }
0x65: {  	_ =	shalt  }
0x66: {  	_ =	shalt  }
0x67: {  	_ =	shalt  }
0x68: {  	_ =	shalt  }
0x69: {  	_ =	shalt  }
0x6a: {  	_ =	shalt  }
0x6b: {  	_ =	shalt  }
0x6c: {  	_ =	shalt  }
0x6d: {  	_ =	shalt  }
0x6e: {  	_ =	shalt  }
0x6f: {  	_ =	shalt  }
0x70: {  	_ =	shalt  }
0x71: {  	_ =	shalt  }
0x72: {  	_ =	shalt  }
0x73: {  	_ =	shalt  }
0x74: {  	_ =	shalt  }
0x75: {  	_ =	shalt  }
0x76: {  	_ =	shalt  }
0x77: {  	_ =	shalt  }
0x78: {  	_ =	shalt  }
0x79: {  	_ =	shalt  }
0x7a: {  	_ =	shalt  }
0x7b: {  	_ =	shalt  }
0x7c: {  	_ =	shalt  }
0x7d: {  	_ =	shalt  }
0x7e: {  	_ =	shalt  }
0x7f: {  	_ =	shalt  }
0x80: {  	_ =	shalt  }
0x81: {  	_ =	shalt  }
0x82: {  	_ =	shalt  }
0x83: {  	_ =	shalt  }
0x84: {  	_ =	shalt  }
0x85: {  	_ =	shalt  }
0x86: {  	_ =	shalt  }
0x87: {  	_ =	shalt  }
.Lfunc_end0:
.L_simem_size_0:
called_computation.1_lowered:
.L_overlay_start_0:
0x88: {  	s2 =	sld [smem:$0x3FD9]  }
0x89: {  	s3 =	sld [smem:$0x3FFE];
	_ =	sdelay $0x1  }
0x8a: {  	s1 =	srdreg.scid  }
0x8b: {  	s0 =	sand.u32 $0x1, s1  }
0x8c: {  	s17 =	sshll.u32 s0, $0xA;
	s2 =	sadd.s32 s3, s2  }
0x8d: {  	s2 =	sadd.s32 s2, s17  }
0x8e: {  	[smem:$0x3FC5] =	sst s2  }
0x8f: {  	_ = 	snop  }
0x90: {  	(tm) =	ssettm $0x1  }
0x91: {  	s18 =	sld [smem:$0x3FFB];
	_ =	sdelay $0x3  }
0x92: {  	_ =	strace s18  }
0x93: {  	s2 =	sld [smem:$0x3FFC];
	_ =	sdelay $0x3  }
0x94: {  	_ =	strace s2  }
0x95: {  	s2 =	sld [smem:$0x3FFD];
	_ =	sdelay $0x3  }
0x96: {  	_ =	strace s2  }
0x97: {  	_ =	strace $0x8FFFFFFF  }
0x98: {  	s19 =	sld [smem:$0x3FDB];
	_ =	sdelay $0x1  }
0x99: {  	s20 =	simm.s32 $_scs_section_size  }
0x9a: {  	s4 =	simm.s32 $_size__tile_overlayer_lowered;
	s5 =	simm.s32 $_tile_overlayer_lowered  }
0x9b: {  	s6 =	simm.s32 $0x1BFF;
	s21 =	sshll.u32 s5, $0x1;
	s3 =	sadd.s32 s20, s19  }
0x9c: {  	s22 =	simm.s32 $0x0;
	s4 =	sshll.u32 s4, $0x1;
	s5 =	sadd.s32 s21, s3  }
0x9d: {  	[timem:s22], [sflag:s6] =	dma.local [hbm:s5], s4  }
0x9e: {  	_ =	swait.ge [sflag:s6], s4  }
0x9f: {  	s4 =	ssub.s32 $0x0, s4;
	[sflag:s6] =	ssyncset.done $0x0  }
0xa0: {  	[sflag:s6] =	ssyncadd.s32 s4;
	_ =	sdelay $0x1  }
0xa1: {  	s23 =	simm.s32 $0x1B8B  }
0xa2: {  	_ =	swait.ge [sflag:s23], $0x1  }
0xa3: {  	[sflag:s23] =	ssyncset.done $0x0  }
0xa4: {  	[sflag:s23] =	ssyncadd.s32 $0xFFFFFFFF  }
0xa5: {  	s4 =	sld [smem:$0x0]  }
0xa6: {  	s5 =	sand.u32 $0xFFFFFFFE, s1  }
0xa7: {  	p0 =	sne.s32 s1, s5  }
0xa8: {  	s5 =	sshll.u32 @p0 s5, $0xE  }
0xa9: {  	s5 =	sadd.s32 @p0 $0x11B8D, s5;
	s6 =	sshll.u32 @p0 s4, $0x11  }
0xaa: {  	s5 =	sor.u32 @p0 s6, s5  }
0xab: {  	[sflag:s5] =	ssyncadd.remote.s32 @p0 $0x1;
	_ =	sdelay $0x1  }
0xac: {  	s5 =	simm.s32 @p0 $0x1B8D  }
0xad: {  	_ =	swait.eq @p0 [sflag:s5], $0x1  }
0xae: {  	[sflag:s5] =	ssyncadd.s32 @p0 $0xFFFFFFFF  }
0xaf: {  	s6 =	sshll.u32 @!p0 s1, $0xE  }
0xb0: {  	s6 =	sor.u32 @!p0 $0x4000, s6;
	s5 =	simm.s32 @!p0 $0x1B8D  }
0xb1: {  	s4 =	sshll.u32 @!p0 s4, $0x11;
	s6 =	sadd.s32 @!p0 $0x11B8D, s6;
	_ =	swait.eq @!p0 [sflag:s5], $0x1  }
0xb2: {  	s4 =	sor.u32 @!p0 s4, s6;
	[sflag:s5] =	ssyncadd.s32 @!p0 $0xFFFFFFFF  }
0xb3: {  	s25 =	simm.s32 $0x1B8E;
	s24 =	sld [smem:$0x3FFE];
	[sflag:s4] =	ssyncadd.remote.s32 @!p0 $0x1  }
0xb4: {  	s26 =	simm.s32 $execute0_lowered;
	[smem:$0x3FD2] =	sst s25  }
0xb5: {  	s5 =	sshll.u32 s26, $0x1;
	_ =	strace $0x80000049;
	[dreg:$0x1] =	wrdreg $0xFFFFFFFF  }
0xb6: {  	s28 =	simm.s32 $_size_execute0_lowered;
	s3 =	sadd.s32 s3, s5;
	[dreg:$0x0] =	wrdreg $0x0  }
0xb7: {  	s5 =	sshll.u32 s28, $0x1;
	[dreg:$0x2] =	wrdreg s3  }
0xb8: {  	[dreg:$0x3] =	wrdreg s5  }
0xb9: {  	[dreg:$0x4] =	wrdreg $0xC0  }
0xba: {  	_ =	task [dreg:s22], $0x5FFFF  }
0xbb: {  	[dreg:$0x1] =	wrdreg $0xFFFFFFFF  }
0xbc: {  	[dreg:$0x0] =	wrdreg $0x60  }
0xbd: {  	[dreg:$0x2] =	wrdreg s24  }
0xbe: {  	[dreg:$0x3] =	wrdreg $0xA  }
0xbf: {  	_ =	task.clear_ibuf [dreg:s22], $0x4FFFF;
	_ =	strace $0x90000049  }
0xc0: {  	s29 =	simm.s32 $0xA;
	_ =	strace $0x8000004B  }
0xc1: {  	_ =	swait.ge [sflag:s29], $0x1  }
0xc2: {  	[sflag:s29] =	ssyncadd.s32 $0xFFFFFFFF  }
0xc3: {  	_ =	strace $0x9000004B  }
0xc4: {  	_ =	sfence  }
0xc5: {  	s30 =	sld [smem:$0x0];
	_ =	sdelay $0x2  }
0xc6: {  	s31 =	sshll.u32 s1, $0xD;
	s1 =	sshrl.u32 s1, $0x2  }
0xc7: {  	s4 =	sand.u32 $0x4000, s31;
	s1 =	sadd.s32 s1, s30  }
0xc8: {  	s0 =	sor.u32 s4, s0;
	s1 =	sshll.u32 s1, $0x11  }
0xc9: {  	s0 =	sor.u32 s1, s0  }
0xca: {  	s0 =	sadd.s32 $0x8F2B, s0  }
0xcb: {  	[sflag:s0] =	ssyncadd.remote.s32 $0x1  }
0xcc: {  	_ =	sfence.sel $0xFFFF  }
0xcd: {  	[dreg:$0x0] =	wrdreg $0xFFFFFFFF;
	(pc) =	sbr.abs _section_cstart, $3  }
0xce: {  	[dreg:$0x1] =	wrdreg $0xFFFFFFFF  }
0xcf: {  	_ =	task.clear_ibuf [dreg:s22], $0x2FFFF;
	_ =	strace $0x9FFFFFFF  }
0xd0: {  	(tm) =	ssettm $0x7FFFFFFF  }
0xd1: {  	_ =	shalt  }
tec
execute0_lowered:
.L_overlay_start_1:
0x0: {  	(tag) =	ssettag $0x1  }
0x1: {  	s0 =	srdreg.scid  }
0x2: {  	s2 =	stileid.u32;
	s1 =	rddreg [dreg:$0x0];
	s10 =	simm.s32 $0x80  }
0x3: {  	s11 =	simm.s32 $0x5000;
	s12 =	simm.s32 $0x5A00;
	s13 =	simm.s32 $0x5080  }
0x4: {  	s14 =	simm.s32 $0x6200;
	s15 =	simm.s32 $0x5100;
	s16 =	simm.s32 $0x6A00  }
0x5: {  	s17 =	simm.s32 $0x5180;
	s18 =	simm.s32 $0x7200;
	s19 =	simm.s32 $0x5200  }
0x6: {  	s20 =	simm.s32 $0x7A00;
	s21 =	simm.s32 $0x1;
	s23 =	simm.s32 $0xDA00  }
0x7: {  	s24 =	simm.s32 $0x5880;
	s25 =	simm.s32 $0xE200;
	s26 =	simm.s32 $0x5900  }
0x8: {  	s28 =	simm.s32 $0xEA00;
	s29 =	simm.s32 $0x5980;
	s30 =	simm.s32 $0xF200  }
0x9: {  	s31 =	simm.s32 $0x0;
	s0 =	sand.u32 $0x1, s0;
	s3 =	sshll.u32 s2, $0x1  }
0xa: {  	s2 =	simm.s32 $0x0;
	s7 =	sadd.s32 $0x76C00, s1;
	s9 =	sor.u32 s0, s3  }
0xb: {  	[smem:$0x7FF] =	sst s2;
	s3 =	sadd.s32 $0x1C00, s1;
	s4 =	smul.u32 $0x5000, s9  }
.Ltmp0:
0xc: {  	s0 =	ssub.s32 $0x2, s0;
	_ =	strace $0x8000004A;
	(pc) =	sbr.rel .LBB2_1-.Ltmp0, $4  }
0xd: {  	s5 =	smul.u32 $0x1400, s9;
	s6 =	sshrl.u32 s0, $0x1;
	p0 =	seq.s32 s9, $0x1F  }
0xe: {  	s9 =	simm.s32 $0x2;
	s0 =	ssub.s32 s0, s6;
	s4 =	sshrl.u32 s4, $0x3  }
0xf: {  	s6 =	sadd.s32 $0x4FC80, s1;
	s5 =	sadd.s32 s5, s1;
	s4 =	sadd.s32 s1, s4  }
0x10: {  	s8 =	smax.u32 s0, $0x1;
	s5 =	sadd.s32 $0x50000, s5;
	s4 =	sadd.s32 $0x3C680, s4  }
.LBB2_5:
0x11: {  	[tilespmem:s2], [sflag:$0x2] =	stream.linear.gather [hbm4b:s6+s2], $0x1400, $0x38;
	[tilespmem:$0xFA00] =	vst v63  }
0x12: {  	_ =	swait.ge [sflag:s9], $0x1400  }
0x13: {  	[sflag:s9] =	ssyncset.done $0x0  }
0x14: {  	[sflag:s9] =	ssyncadd.s32 $0xFFFFEC00  }
0x15: {  	v0 =	vld [tilespmem:$0x0]  }
0x16: {  	v1 =	vld [tilespmem:$0x80]  }
0x17: {  	v2 =	vld [tilespmem:$0x100]  }
0x18: {  	v3 =	vld [tilespmem:$0x180]  }
0x19: {  	v4 =	vld [tilespmem:$0x200]  }
0x1a: {  	v5 =	vld [tilespmem:$0x280];
	v0 =	vshll.u32 v0, $0x3  }
0x1b: {  	v48 =	vld [tilespmem:$0x300];
	v47 =	vshll.u32 v1, $0x3;
	[tilespmem:$0x5000] =	vst v0  }
0x1c: {  	v50 =	vld [tilespmem:$0x380];
	v49 =	vshll.u32 v2, $0x3;
	[tilespmem:$0x5010] =	vst v47  }
0x1d: {  	v52 =	vld [tilespmem:$0x400];
	v51 =	vshll.u32 v3, $0x3;
	[tilespmem:$0x5020] =	vst v49  }
0x1e: {  	v54 =	vld [tilespmem:$0x480];
	v53 =	vshll.u32 v4, $0x3;
	[tilespmem:$0x5030] =	vst v51  }
0x1f: {  	v56 =	vld [tilespmem:$0x500];
	v55 =	vshll.u32 v5, $0x3;
	[tilespmem:$0x5040] =	vst v53  }
0x20: {  	v58 =	vld [tilespmem:$0x580];
	v57 =	vshll.u32 v48, $0x3;
	[tilespmem:$0x5050] =	vst v55  }
0x21: {  	v60 =	vld [tilespmem:$0x600];
	v59 =	vshll.u32 v50, $0x3;
	[tilespmem:$0x5060] =	vst v57  }
0x22: {  	v62 =	vld [tilespmem:$0x680];
	v61 =	vshll.u32 v52, $0x3;
	[tilespmem:$0x5070] =	vst v59  }
0x23: {  	v8 =	vld [tilespmem:$0x700];
	v63 =	vshll.u32 v54, $0x3;
	[tilespmem:$0x5080] =	vst v61  }
0x24: {  	v10 =	vld [tilespmem:$0x780];
	v9 =	vshll.u32 v56, $0x3;
	[tilespmem:$0x5090] =	vst v63  }
0x25: {  	v12 =	vld [tilespmem:$0x800];
	v11 =	vshll.u32 v58, $0x3;
	[tilespmem:$0x50A0] =	vst v9  }
0x26: {  	v14 =	vld [tilespmem:$0x880];
	v13 =	vshll.u32 v60, $0x3;
	[tilespmem:$0x50B0] =	vst v11  }
0x27: {  	v16 =	vld [tilespmem:$0x900];
	v15 =	vshll.u32 v62, $0x3;
	[tilespmem:$0x50C0] =	vst v13  }
0x28: {  	v18 =	vld [tilespmem:$0x980];
	v17 =	vshll.u32 v8, $0x3;
	[tilespmem:$0x50D0] =	vst v15  }
0x29: {  	v20 =	vld [tilespmem:$0xA00];
	v19 =	vshll.u32 v10, $0x3;
	[tilespmem:$0x50E0] =	vst v17  }
0x2a: {  	v22 =	vld [tilespmem:$0xA80];
	v21 =	vshll.u32 v12, $0x3;
	[tilespmem:$0x50F0] =	vst v19  }
0x2b: {  	v24 =	vld [tilespmem:$0xB00];
	v23 =	vshll.u32 v14, $0x3;
	[tilespmem:$0x5100] =	vst v21  }
0x2c: {  	v26 =	vld [tilespmem:$0xB80];
	v25 =	vshll.u32 v16, $0x3;
	[tilespmem:$0x5110] =	vst v23  }
0x2d: {  	v28 =	vld [tilespmem:$0xC00];
	v27 =	vshll.u32 v18, $0x3;
	[tilespmem:$0x5120] =	vst v25  }
0x2e: {  	v30 =	vld [tilespmem:$0xC80];
	v29 =	vshll.u32 v20, $0x3;
	[tilespmem:$0x5130] =	vst v27  }
0x2f: {  	v32 =	vld [tilespmem:$0xD00];
	v31 =	vshll.u32 v22, $0x3;
	[tilespmem:$0x5140] =	vst v29  }
0x30: {  	v34 =	vld [tilespmem:$0xD80];
	v33 =	vshll.u32 v24, $0x3;
	[tilespmem:$0x5150] =	vst v31  }
0x31: {  	v36 =	vld [tilespmem:$0xE00];
	v35 =	vshll.u32 v26, $0x3;
	[tilespmem:$0x5160] =	vst v33  }
0x32: {  	v38 =	vld [tilespmem:$0xE80];
	v37 =	vshll.u32 v28, $0x3;
	[tilespmem:$0x5170] =	vst v35  }
0x33: {  	v40 =	vld [tilespmem:$0xF00];
	v39 =	vshll.u32 v30, $0x3;
	[tilespmem:$0x5180] =	vst v37  }
0x34: {  	v42 =	vld [tilespmem:$0xF80];
	v41 =	vshll.u32 v32, $0x3;
	[tilespmem:$0x5190] =	vst v39  }
0x35: {  	v44 =	vld [tilespmem:$0x1000];
	v43 =	vshll.u32 v34, $0x3;
	[tilespmem:$0x51A0] =	vst v41  }
0x36: {  	v46 =	vld [tilespmem:$0x1080];
	v45 =	vshll.u32 v36, $0x3;
	[tilespmem:$0x51B0] =	vst v43  }
0x37: {  	v48 =	vld [tilespmem:$0x1100];
	[tilespmem:$0x51C0] =	vst v45;
	v47 =	vshll.u32 v38, $0x3  }
0x38: {  	v50 =	vld [tilespmem:$0x1180];
	v49 =	vshll.u32 v40, $0x3;
	[tilespmem:$0x51D0] =	vst v47  }
0x39: {  	v52 =	vld [tilespmem:$0x1200];
	v51 =	vshll.u32 v42, $0x3;
	[tilespmem:$0x51E0] =	vst v49  }
0x3a: {  	v54 =	vld [tilespmem:$0x1280];
	v53 =	vshll.u32 v44, $0x3;
	[tilespmem:$0x51F0] =	vst v51  }
0x3b: {  	v56 =	vld [tilespmem:$0x1300];
	v55 =	vshll.u32 v46, $0x3;
	[tilespmem:$0x5200] =	vst v53  }
0x3c: {  	v58 =	vld [tilespmem:$0x1380];
	[tilespmem:$0x5210] =	vst v55;
	v57 =	vshll.u32 v48, $0x3  }
0x3d: {  	v59 =	vshll.u32 v50, $0x3;
	[tilespmem:$0x5220] =	vst v57  }
0x3e: {  	v60 =	vshll.u32 v52, $0x3;
	[tilespmem:$0x5230] =	vst v59  }
0x3f: {  	v61 =	vshll.u32 v54, $0x3;
	[tilespmem:$0x5240] =	vst v60  }
0x40: {  	v62 =	vshll.u32 v56, $0x3;
	[tilespmem:$0x5250] =	vst v61  }
0x41: {  	v63 =	vshll.u32 v58, $0x3;
	[tilespmem:$0x5260] =	vst v62  }
0x42: {  	[tilespmem:$0x5270] =	vst v63  }
0x43: {  	[tilespmem:s12], [sflag:$0x1] =	stream.indirect.gather [hbm4b:s3+s10], $0x10, s11, s10, $0xb8;
	[tilespmem:$0xFA00] =	vst v63  }
0x44: {  	_ = 	snop  }
0x45: {  	[tilespmem:s14], [sflag:$0x1] =	stream.indirect.gather [hbm4b:s3+s10], $0x10, s13, s10, $0xb8;
	[tilespmem:$0xFA00] =	vst v63  }
0x46: {  	_ = 	snop  }
0x47: {  	[tilespmem:s16], [sflag:$0x1] =	stream.indirect.gather [hbm4b:s3+s10], $0x10, s15, s10, $0xb8;
	[tilespmem:$0xFA00] =	vst v63  }
0x48: {  	_ = 	snop  }
0x49: {  	[tilespmem:s18], [sflag:$0x1] =	stream.indirect.gather [hbm4b:s3+s10], $0x10, s17, s10, $0xb8;
	[tilespmem:$0xFA00] =	vst v63  }
0x4a: {  	_ = 	snop  }
0x4b: {  	[tilespmem:s20], [sflag:$0x1] =	stream.indirect.gather [hbm4b:s3+s10], $0x10, s19, s10, $0xb8;
	[tilespmem:$0xFA00] =	vst v63  }
0x4c: {  	_ =	swait.ge [sflag:s21], $0x800  }
0x4d: {  	[sflag:s21] =	ssyncset.done $0x0  }
0x4e: {  	[sflag:s21] =	ssyncadd.s32 $0xFFFFF800  }
0x4f: {  	_ =	swait.ge [sflag:s21], $0x800  }
0x50: {  	[sflag:s21] =	ssyncset.done $0x0  }
0x51: {  	[sflag:s21] =	ssyncadd.s32 $0xFFFFF800  }
0x52: {  	_ =	swait.ge [sflag:s21], $0x800  }
0x53: {  	[sflag:s21] =	ssyncset.done $0x0  }
0x54: {  	[sflag:s21] =	ssyncadd.s32 $0xFFFFF800  }
0x55: {  	_ =	swait.ge [sflag:s21], $0x800  }
0x56: {  	[sflag:s21] =	ssyncset.done $0x0  }
0x57: {  	[sflag:s21] =	ssyncadd.s32 $0xFFFFF800  }
0x58: {  	_ =	swait.ge [sflag:s21], $0x800  }
0x59: {  	[sflag:s21] =	ssyncset.done $0x0  }
0x5a: {  	[sflag:s21] =	ssyncadd.s32 $0xFFFFF800  }
0x5b: {  	[hbm4b:s7+s2] =	stream.linear.scatter [tilespmem:s12], [sflag:$0x2], $0x2800, $0x38;
	[tilespmem:$0xFA00] =	vst v63  }
0x5c: {  	_ =	swait.ge [sflag:s9], $0x2800  }
0x5d: {  	[sflag:s9] =	ssyncset.done $0x0  }
0x5e: {  	[sflag:s9] =	ssyncadd.s32 $0xFFFFD800  }
.LBB2_6:
0x5f: {  	s31 =	sadd.s32 $0x1, s31  }
0x60: {  	p1 =	sne.s32 s31, s8  }
.Ltmp1:
0x61: {  	_ = 	snop;
	(pc) =	sbr.rel @!p1 .LBB2_7-.Ltmp1, $1  }
0x62: {  	_ =	sdelay $0x3  }
.LBB2_1:
.Ltmp2:
0x63: {  	(pc) =	sbr.rel @p0 .LBB2_5-.Ltmp2, $1  }
0x64: {  	_ =	sdelay $0x3  }
0x65: {  	s0 =	simm.s32 $0x0  }
0x66: {  	[tilespmem:s0], [sflag:$0x2] =	stream.linear.gather [hbm4b:s4+s0], $0x5000, $0x38;
	[tilespmem:$0xFA00] =	vst v63  }
0x67: {  	_ =	swait.ge [sflag:s9], $0x5000  }
0x68: {  	[sflag:s9] =	ssyncset.done $0x0  }
0x69: {  	s22 =	simm.s32 $0x0;
	[sflag:s9] =	ssyncadd.s32 $0xFFFFB000  }
0x6a: {  	v0 =	vld [tilespmem:s22+$0x0];
	_ =	sdelay $0x4  }
0x6b: {  	s1 =	simm.s32 $0x5040;
	v0 =	vshll.u32 v0, $0x3  }
0x6c: {  	[tilespmem:s1+$0xFFFFFFC0] =	vst v0  }
0x6d: {  	v0 =	vld [tilespmem:s22+$0x80];
	_ =	sdelay $0x4  }
0x6e: {  	v0 =	vshll.u32 v0, $0x3  }
0x6f: {  	[tilespmem:s1+$0xFFFFFFD0] =	vst v0  }
0x70: {  	v0 =	vld [tilespmem:s22+$0x100];
	_ =	sdelay $0x4  }
0x71: {  	v0 =	vshll.u32 v0, $0x3  }
0x72: {  	[tilespmem:s1+$0xFFFFFFE0] =	vst v0  }
0x73: {  	v0 =	vld [tilespmem:s22+$0x180];
	_ =	sdelay $0x4  }
0x74: {  	v0 =	vshll.u32 v0, $0x3  }
0x75: {  	[tilespmem:s1+$0xFFFFFFF0] =	vst v0  }
0x76: {  	v0 =	vld [tilespmem:s22+$0x200];
	_ =	sdelay $0x4  }
0x77: {  	v0 =	vshll.u32 v0, $0x3  }
0x78: {  	[tilespmem:s1+$0x0] =	vst v0  }
0x79: {  	v0 =	vld [tilespmem:s22+$0x280];
	_ =	sdelay $0x4  }
0x7a: {  	v0 =	vshll.u32 v0, $0x3  }
0x7b: {  	[tilespmem:s1+$0x10] =	vst v0  }
0x7c: {  	v0 =	vld [tilespmem:s22+$0x300];
	_ =	sdelay $0x4  }
0x7d: {  	v0 =	vshll.u32 v0, $0x3  }
0x7e: {  	[tilespmem:s1+$0x20] =	vst v0  }
0x7f: {  	v0 =	vld [tilespmem:s22+$0x380];
	_ =	sdelay $0x4  }
0x80: {  	v0 =	vshll.u32 v0, $0x3  }
0x81: {  	s0 =	simm.s32 $0x400;
	s22 =	simm.s32 $0x2000;
	[tilespmem:s1+$0x30] =	vst v0  }
.LBB2_3:
0x82: {  	p1 =	sne.s32 s22, $0x13000;
	v0 =	vld [tilespmem:s0+$0x0];
	_ =	sdelay $0x4  }
0x83: {  	s1 =	sadd.s32 $0x80, s1;
	v0 =	vshll.u32 v0, $0x3  }
0x84: {  	[tilespmem:s1+$0xFFFFFFC0] =	vst v0  }
0x85: {  	v0 =	vld [tilespmem:s0+$0x80];
	_ =	sdelay $0x4  }
0x86: {  	v0 =	vshll.u32 v0, $0x3  }
0x87: {  	[tilespmem:s1+$0xFFFFFFD0] =	vst v0  }
0x88: {  	v0 =	vld [tilespmem:s0+$0x100];
	_ =	sdelay $0x4  }
0x89: {  	v0 =	vshll.u32 v0, $0x3  }
0x8a: {  	[tilespmem:s1+$0xFFFFFFE0] =	vst v0  }
0x8b: {  	v0 =	vld [tilespmem:s0+$0x180];
	_ =	sdelay $0x4  }
0x8c: {  	v0 =	vshll.u32 v0, $0x3  }
0x8d: {  	[tilespmem:s1+$0xFFFFFFF0] =	vst v0  }
0x8e: {  	v0 =	vld [tilespmem:s0+$0x200];
	_ =	sdelay $0x4  }
0x8f: {  	v0 =	vshll.u32 v0, $0x3  }
0x90: {  	[tilespmem:s1+$0x0] =	vst v0  }
0x91: {  	v0 =	vld [tilespmem:s0+$0x280];
	_ =	sdelay $0x4  }
0x92: {  	v0 =	vshll.u32 v0, $0x3  }
0x93: {  	[tilespmem:s1+$0x10] =	vst v0  }
0x94: {  	v0 =	vld [tilespmem:s0+$0x300];
	_ =	sdelay $0x4  }
0x95: {  	v0 =	vshll.u32 v0, $0x3  }
0x96: {  	[tilespmem:s1+$0x20] =	vst v0  }
0x97: {  	v0 =	vld [tilespmem:s0+$0x380];
	_ =	sdelay $0x1  }
.Ltmp3:
0x98: {  	(pc) =	sbr.rel @p1 .LBB2_3-.Ltmp3, $3  }
0x99: {  	_ =	sdelay $0x1  }
0x9a: {  	v0 =	vshll.u32 v0, $0x3  }
0x9b: {  	s0 =	sshra.s32 s22, $0x2;
	s22 =	sadd.s32 $0x1000, s22;
	[tilespmem:s1+$0x30] =	vst v0  }
0x9c: {  	v0 =	vld [tilespmem:s0+$0x0];
	_ =	sdelay $0x4  }
0x9d: {  	s1 =	sadd.s32 $0x80, s1;
	v0 =	vshll.u32 v0, $0x3  }
0x9e: {  	[tilespmem:s1+$0xFFFFFFC0] =	vst v0  }
0x9f: {  	v0 =	vld [tilespmem:s0+$0x80];
	_ =	sdelay $0x4  }
0xa0: {  	v0 =	vshll.u32 v0, $0x3  }
0xa1: {  	[tilespmem:s1+$0xFFFFFFD0] =	vst v0  }
0xa2: {  	v0 =	vld [tilespmem:s0+$0x100];
	_ =	sdelay $0x4  }
0xa3: {  	v0 =	vshll.u32 v0, $0x3  }
0xa4: {  	[tilespmem:s1+$0xFFFFFFE0] =	vst v0  }
0xa5: {  	v0 =	vld [tilespmem:s0+$0x180];
	_ =	sdelay $0x4  }
0xa6: {  	v0 =	vshll.u32 v0, $0x3  }
0xa7: {  	[tilespmem:s1+$0xFFFFFFF0] =	vst v0  }
0xa8: {  	v0 =	vld [tilespmem:s0+$0x200];
	_ =	sdelay $0x4  }
0xa9: {  	v0 =	vshll.u32 v0, $0x3  }
0xaa: {  	[tilespmem:s1+$0x0] =	vst v0  }
0xab: {  	v0 =	vld [tilespmem:s0+$0x280];
	_ =	sdelay $0x4  }
0xac: {  	v0 =	vshll.u32 v0, $0x3  }
0xad: {  	[tilespmem:s1+$0x10] =	vst v0  }
0xae: {  	v0 =	vld [tilespmem:s0+$0x300];
	_ =	sdelay $0x4  }
0xaf: {  	v0 =	vshll.u32 v0, $0x3  }
0xb0: {  	[tilespmem:s1+$0x20] =	vst v0  }
0xb1: {  	v0 =	vld [tilespmem:s0+$0x380];
	_ =	sdelay $0x4  }
0xb2: {  	v0 =	vshll.u32 v0, $0x3  }
0xb3: {  	[tilespmem:s1+$0x30] =	vst v0  }
0xb4: {  	[tilespmem:s12], [sflag:$0x1] =	stream.indirect.gather [hbm4b:s3+s10], $0x10, s11, s10, $0xb8;
	[tilespmem:$0xFA00] =	vst v63  }
0xb5: {  	_ = 	snop  }
0xb6: {  	[tilespmem:s14], [sflag:$0x1] =	stream.indirect.gather [hbm4b:s3+s10], $0x10, s13, s10, $0xb8;
	[tilespmem:$0xFA00] =	vst v63  }
0xb7: {  	_ = 	snop  }
0xb8: {  	[tilespmem:s16], [sflag:$0x1] =	stream.indirect.gather [hbm4b:s3+s10], $0x10, s15, s10, $0xb8;
	[tilespmem:$0xFA00] =	vst v63  }
0xb9: {  	_ = 	snop  }
0xba: {  	[tilespmem:s18], [sflag:$0x1] =	stream.indirect.gather [hbm4b:s3+s10], $0x10, s17, s10, $0xb8;
	[tilespmem:$0xFA00] =	vst v63  }
0xbb: {  	_ = 	snop  }
0xbc: {  	[tilespmem:s20], [sflag:$0x1] =	stream.indirect.gather [hbm4b:s3+s10], $0x10, s19, s10, $0xb8;
	[tilespmem:$0xFA00] =	vst v63  }
0xbd: {  	s22 =	simm.s32 $0x8200;
	s1 =	simm.s32 $0x5280  }
0xbe: {  	[tilespmem:s22], [sflag:$0x1] =	stream.indirect.gather [hbm4b:s3+s10], $0x10, s1, s10, $0xb8;
	[tilespmem:$0xFA00] =	vst v63  }
0xbf: {  	s1 =	simm.s32 $0x5300;
	s22 =	simm.s32 $0x8A00  }
0xc0: {  	[tilespmem:s22], [sflag:$0x1] =	stream.indirect.gather [hbm4b:s3+s10], $0x10, s1, s10, $0xb8;
	[tilespmem:$0xFA00] =	vst v63  }
0xc1: {  	s1 =	simm.s32 $0x5380;
	s22 =	simm.s32 $0x9200  }
0xc2: {  	[tilespmem:s22], [sflag:$0x1] =	stream.indirect.gather [hbm4b:s3+s10], $0x10, s1, s10, $0xb8;
	[tilespmem:$0xFA00] =	vst v63  }
0xc3: {  	s1 =	simm.s32 $0x5400;
	s22 =	simm.s32 $0x9A00  }
0xc4: {  	[tilespmem:s22], [sflag:$0x1] =	stream.indirect.gather [hbm4b:s3+s10], $0x10, s1, s10, $0xb8;
	[tilespmem:$0xFA00] =	vst v63  }
0xc5: {  	s1 =	simm.s32 $0x5480;
	s22 =	simm.s32 $0xA200  }
0xc6: {  	[tilespmem:s22], [sflag:$0x1] =	stream.indirect.gather [hbm4b:s3+s10], $0x10, s1, s10, $0xb8;
	[tilespmem:$0xFA00] =	vst v63  }
0xc7: {  	s1 =	simm.s32 $0x5500;
	s22 =	simm.s32 $0xAA00  }
0xc8: {  	[tilespmem:s22], [sflag:$0x1] =	stream.indirect.gather [hbm4b:s3+s10], $0x10, s1, s10, $0xb8;
	[tilespmem:$0xFA00] =	vst v63  }
0xc9: {  	s1 =	simm.s32 $0x5580;
	s22 =	simm.s32 $0xB200  }
0xca: {  	[tilespmem:s22], [sflag:$0x1] =	stream.indirect.gather [hbm4b:s3+s10], $0x10, s1, s10, $0xb8;
	[tilespmem:$0xFA00] =	vst v63  }
0xcb: {  	s1 =	simm.s32 $0x5600;
	s22 =	simm.s32 $0xBA00  }
0xcc: {  	[tilespmem:s22], [sflag:$0x1] =	stream.indirect.gather [hbm4b:s3+s10], $0x10, s1, s10, $0xb8;
	[tilespmem:$0xFA00] =	vst v63  }
0xcd: {  	s1 =	simm.s32 $0x5680;
	s22 =	simm.s32 $0xC200  }
0xce: {  	[tilespmem:s22], [sflag:$0x1] =	stream.indirect.gather [hbm4b:s3+s10], $0x10, s1, s10, $0xb8;
	[tilespmem:$0xFA00] =	vst v63  }
0xcf: {  	s1 =	simm.s32 $0x5700;
	s22 =	simm.s32 $0xCA00  }
0xd0: {  	[tilespmem:s22], [sflag:$0x1] =	stream.indirect.gather [hbm4b:s3+s10], $0x10, s1, s10, $0xb8;
	[tilespmem:$0xFA00] =	vst v63  }
0xd1: {  	s1 =	simm.s32 $0x5780;
	s22 =	simm.s32 $0xD200  }
0xd2: {  	[tilespmem:s22], [sflag:$0x1] =	stream.indirect.gather [hbm4b:s3+s10], $0x10, s1, s10, $0xb8;
	[tilespmem:$0xFA00] =	vst v63  }
0xd3: {  	s22 =	simm.s32 $0x5800  }
0xd4: {  	[tilespmem:s23], [sflag:$0x1] =	stream.indirect.gather [hbm4b:s3+s10], $0x10, s22, s10, $0xb8;
	[tilespmem:$0xFA00] =	vst v63  }
0xd5: {  	_ = 	snop  }
0xd6: {  	[tilespmem:s25], [sflag:$0x1] =	stream.indirect.gather [hbm4b:s3+s10], $0x10, s24, s10, $0xb8;
	[tilespmem:$0xFA00] =	vst v63  }
0xd7: {  	_ = 	snop  }
0xd8: {  	[tilespmem:s28], [sflag:$0x1] =	stream.indirect.gather [hbm4b:s3+s10], $0x10, s26, s10, $0xb8;
	[tilespmem:$0xFA00] =	vst v63  }
0xd9: {  	_ = 	snop  }
0xda: {  	[tilespmem:s30], [sflag:$0x1] =	stream.indirect.gather [hbm4b:s3+s10], $0x10, s29, s10, $0xb8;
	[tilespmem:$0xFA00] =	vst v63  }
0xdb: {  	_ =	swait.ge [sflag:s21], $0x800  }
0xdc: {  	[sflag:s21] =	ssyncset.done $0x0  }
0xdd: {  	[sflag:s21] =	ssyncadd.s32 $0xFFFFF800  }
0xde: {  	_ =	swait.ge [sflag:s21], $0x800  }
0xdf: {  	[sflag:s21] =	ssyncset.done $0x0  }
0xe0: {  	[sflag:s21] =	ssyncadd.s32 $0xFFFFF800  }
0xe1: {  	_ =	swait.ge [sflag:s21], $0x800  }
0xe2: {  	[sflag:s21] =	ssyncset.done $0x0  }
0xe3: {  	[sflag:s21] =	ssyncadd.s32 $0xFFFFF800  }
0xe4: {  	_ =	swait.ge [sflag:s21], $0x800  }
0xe5: {  	[sflag:s21] =	ssyncset.done $0x0  }
0xe6: {  	[sflag:s21] =	ssyncadd.s32 $0xFFFFF800  }
0xe7: {  	_ =	swait.ge [sflag:s21], $0x800  }
0xe8: {  	[sflag:s21] =	ssyncset.done $0x0  }
0xe9: {  	[sflag:s21] =	ssyncadd.s32 $0xFFFFF800  }
0xea: {  	_ =	swait.ge [sflag:s21], $0x800  }
0xeb: {  	[sflag:s21] =	ssyncset.done $0x0  }
0xec: {  	[sflag:s21] =	ssyncadd.s32 $0xFFFFF800  }
0xed: {  	_ =	swait.ge [sflag:s21], $0x800  }
0xee: {  	[sflag:s21] =	ssyncset.done $0x0  }
0xef: {  	[sflag:s21] =	ssyncadd.s32 $0xFFFFF800  }
0xf0: {  	_ =	swait.ge [sflag:s21], $0x800  }
0xf1: {  	[sflag:s21] =	ssyncset.done $0x0  }
0xf2: {  	[sflag:s21] =	ssyncadd.s32 $0xFFFFF800  }
0xf3: {  	_ =	swait.ge [sflag:s21], $0x800  }
0xf4: {  	[sflag:s21] =	ssyncset.done $0x0  }
0xf5: {  	[sflag:s21] =	ssyncadd.s32 $0xFFFFF800  }
0xf6: {  	_ =	swait.ge [sflag:s21], $0x800  }
0xf7: {  	[sflag:s21] =	ssyncset.done $0x0  }
0xf8: {  	[sflag:s21] =	ssyncadd.s32 $0xFFFFF800  }
0xf9: {  	_ =	swait.ge [sflag:s21], $0x800  }
0xfa: {  	[sflag:s21] =	ssyncset.done $0x0  }
0xfb: {  	[sflag:s21] =	ssyncadd.s32 $0xFFFFF800  }
0xfc: {  	_ =	swait.ge [sflag:s21], $0x800  }
0xfd: {  	[sflag:s21] =	ssyncset.done $0x0  }
0xfe: {  	[sflag:s21] =	ssyncadd.s32 $0xFFFFF800  }
0xff: {  	_ =	swait.ge [sflag:s21], $0x800  }
0x100: {  	[sflag:s21] =	ssyncset.done $0x0  }
0x101: {  	[sflag:s21] =	ssyncadd.s32 $0xFFFFF800  }
0x102: {  	_ =	swait.ge [sflag:s21], $0x800  }
0x103: {  	[sflag:s21] =	ssyncset.done $0x0  }
0x104: {  	[sflag:s21] =	ssyncadd.s32 $0xFFFFF800  }
0x105: {  	_ =	swait.ge [sflag:s21], $0x800  }
0x106: {  	[sflag:s21] =	ssyncset.done $0x0  }
0x107: {  	[sflag:s21] =	ssyncadd.s32 $0xFFFFF800  }
0x108: {  	_ =	swait.ge [sflag:s21], $0x800  }
0x109: {  	[sflag:s21] =	ssyncset.done $0x0  }
0x10a: {  	[sflag:s21] =	ssyncadd.s32 $0xFFFFF800  }
0x10b: {  	_ =	swait.ge [sflag:s21], $0x800  }
0x10c: {  	[sflag:s21] =	ssyncset.done $0x0  }
0x10d: {  	[sflag:s21] =	ssyncadd.s32 $0xFFFFF800  }
0x10e: {  	_ =	swait.ge [sflag:s21], $0x800  }
0x10f: {  	[sflag:s21] =	ssyncset.done $0x0  }
0x110: {  	[sflag:s21] =	ssyncadd.s32 $0xFFFFF800  }
0x111: {  	_ =	swait.ge [sflag:s21], $0x800  }
0x112: {  	[sflag:s21] =	ssyncset.done $0x0  }
0x113: {  	[sflag:s21] =	ssyncadd.s32 $0xFFFFF800  }
0x114: {  	_ =	swait.ge [sflag:s21], $0x800  }
0x115: {  	[sflag:s21] =	ssyncset.done $0x0  }
.Ltmp4:
0x116: {  	[sflag:s21] =	ssyncadd.s32 $0xFFFFF800;
	(pc) =	sbr.rel .LBB2_6-.Ltmp4, $4  }
0x117: {  	[hbm4b:s5+s2] =	stream.linear.scatter [tilespmem:s12], [sflag:$0x2], $0xA000, $0x38;
	[tilespmem:$0xFA00] =	vst v63  }
0x118: {  	_ =	swait.ge [sflag:s9], $0xA000  }
0x119: {  	[sflag:s9] =	ssyncset.done $0x0  }
0x11a: {  	[sflag:s9] =	ssyncadd.s32 $0xFFFF6000  }
.LBB2_7:
0x11b: {  	_ =	sfence.sel $0x180000  }
0x11c: {  	[bflag:$0x0] =	sbarrier.arrive $0xFFFF  }
0x11d: {  	_ =	strace $0x9000004A  }
0x11e: {  	s0 =	stileid.u32;
	[bflag:$0x2] =	sbarrier.arrive $0xFFFF  }
0x11f: {  	p0 =	sne.s32 s0, $0x0;
	s0 =	rddreg [dreg:$0x1]  }
0x120: {  	s0 =	sadd.s32 @!p0 $0x100000, s0  }
0x121: {  	[sflag:s0] =	ssyncadd.tile.s32 @!p0 $0x1;
	_ =	shalt  }
.Lfunc_end2:
_tile_overlayer_lowered:
.L_overlay_start_2:
0x122: {  	(tag) =	ssettag $0x2  }
0x123: {  	s0 =	rddreg [dreg:$0x0];
	s2 =	stileid.u32  }
0x124: {  	s1 =	rddreg [dreg:$0x1];
	p0 =	sne.s32 s2, $0x0  }
0x125: {  	s3 =	rddreg [dreg:$0x2];
	[bflag:$0x3] =	sbarrier.arrive $0xFFFF;
	s2 =	simm.s32 @!p0 $0x1C02  }
0x126: {  	[timem:s3], [sflag:s2] =	dma.local @!p0 [hbm:s0], s1  }
0x127: {  	s0 =	simm.s32 @!p0 $0x2  }
0x128: {  	_ =	swait.ge @!p0 [sflag:s0], s1  }
0x129: {  	s1 =	ssub.s32 @!p0 $0x0, s1;
	[sflag:s0] =	ssyncset.done @!p0 $0x0  }
0x12a: {  	[sflag:s0] =	ssyncadd.s32 @!p0 s1  }
0x12b: {  	[bflag:$0x3] =	sbarrier.arrive $0xFFFF  }
0x12c: {  	_ =	shalt  }

</sc_bundles>
